<compile_context>
chip_gen: v7x
topology: tpu7x:2x2x1
jax: 0.10.2.dev20260603
libtpu: 0.0.44.dev20260713+nightly
codegen_flags: <defaults>
</compile_context>

<pallas_src>
import functools

import jax
import jax.numpy as jnp
from jax import lax
from jax.experimental import pallas as pl
from jax.experimental.pallas import tpu as pltpu
from jax.experimental.pallas import tpu_sc as plsc

_B = 16384
_T = 200
_K = 24
_NC = 2
_NS = 16
_NW = _NC * _NS
_BSC = 8192
_BTC = _B - _BSC
_BPW = _BSC // _NS
_TPC = _T // _NC
_G = _BPW // 16
_NACC = 4


def _compute_step(idx_ref, yp_ref, bt_ref, accs):
    def grp(g, accs):
        vi = idx_ref[pl.ds(g * 16, 16)]
        bbase = vi * _K
        accs = list(accs)
        for c in range(_K):
            bv = plsc.load_gather(bt_ref, [bbase + c])
            ypv = yp_ref[c, pl.ds(g * 16, 16)]
            accs[c % _NACC] = accs[c % _NACC] + ypv * bv
        return tuple(accs)

    return lax.fori_loop(0, _G, grp, accs)


def _sc_body(yp_hbm, yt_hbm, bt_hbm, out_hbm,
             bt_v, i0_v, i1_v, y0_v, y1_v, acc_v, sem0, sem1):
    cid = lax.axis_index("c")
    sid = lax.axis_index("s")
    wid = sid * _NC + cid
    i0 = sid * _BPW
    t0 = cid * _TPC

    pltpu.sync_copy(bt_hbm, bt_v)

    idx_bufs = (i0_v, i1_v)
    yp_bufs = (y0_v, y1_v)
    sems = (sem0, sem1)

    def start(s, b):
        t = t0 + s
        pltpu.async_copy(yt_hbm.at[t, pl.ds(i0, _BPW)], idx_bufs[b], sems[b])
        pltpu.async_copy(yp_hbm.at[t, :, pl.ds(i0, _BPW)], yp_bufs[b], sems[b])

    def wait(b):
        pltpu.make_async_copy(yt_hbm.at[0, pl.ds(0, _BPW)], idx_bufs[b], sems[b]).wait()
        pltpu.make_async_copy(yp_hbm.at[0, :, pl.ds(0, _BPW)], yp_bufs[b], sems[b]).wait()

    for b in range(2):
        start(b, b)

    zero = jnp.zeros((16,), jnp.float32)
    accs = (zero,) * _NACC

    def super_body(k, accs):
        for b in range(2):
            s = 2 * k + b
            wait(b)
            accs = _compute_step(idx_bufs[b], yp_bufs[b], bt_v, accs)

            @pl.when(s + 2 < _TPC)
            def _():
                start(s + 2, b)
        return accs

    accs = lax.fori_loop(0, _TPC // 2, super_body, accs)
    tot = accs[0]
    for a in accs[1:]:
        tot = tot + a
    acc_v[...] = tot
    pltpu.sync_copy(acc_v, out_hbm.at[wid])


@functools.partial(
    pl.kernel,
    mesh=plsc.VectorSubcoreMesh(core_axis_name="c", subcore_axis_name="s"),
    out_type=jax.ShapeDtypeStruct((_NW, 16), jnp.float32),
    compiler_params=pltpu.CompilerParams(needs_layout_passes=False),
    scratch_types=[
        pltpu.VMEM((_K * _K,), jnp.float32),
        pltpu.VMEM((_BPW,), jnp.int32),
        pltpu.VMEM((_BPW,), jnp.int32),
        pltpu.VMEM((_K, _BPW), jnp.float32),
        pltpu.VMEM((_K, _BPW), jnp.float32),
        pltpu.VMEM((16,), jnp.float32),
        pltpu.SemaphoreType.DMA,
        pltpu.SemaphoreType.DMA,
    ],
)
def _sc_kernel(yp_hbm, yt_hbm, bt_hbm, out_hbm, *scratch):
    _sc_body(yp_hbm, yt_hbm, bt_hbm, out_hbm, *scratch)


def _tc_body(yt_ref, yp_ref, b_ref, out_ref):
    t = pl.program_id(0)

    @pl.when(t == 0)
    def _():
        out_ref[...] = jnp.zeros((_K, _BTC), jnp.float32)

    idx = yt_ref[0]
    cls = lax.broadcasted_iota(jnp.int32, (_K, _BTC), 0)
    oh = (idx == cls).astype(jnp.float32)
    gathered = jnp.dot(b_ref[...], oh, preferred_element_type=jnp.float32)
    out_ref[...] += gathered * yp_ref[0]


def _tc_kernel(ytr, ypt, B):
    return pl.pallas_call(
        _tc_body,
        grid=(_T,),
        in_specs=[
            pl.BlockSpec((1, 1, _BTC), lambda t: (t, 0, _BSC // _BTC)),
            pl.BlockSpec((1, _K, _BTC), lambda t: (t, 0, _BSC // _BTC)),
            pl.BlockSpec((_K, _K), lambda t: (0, 0)),
        ],
        out_specs=pl.BlockSpec((_K, _BTC), lambda t: (0, 0)),
        out_shape=jax.ShapeDtypeStruct((_K, _BTC), jnp.float32),
    )(ytr, ypt, B)


def kernel(y_true, y_pred, B):
    ypt = jnp.transpose(y_pred, (1, 2, 0))
    ytt = jnp.transpose(y_true.astype(jnp.int32), (1, 0))
    ytr = ytt.reshape(_T, 1, _B)
    bt = jnp.transpose(B, (1, 0)).reshape(_K * _K)
    sc_out = _sc_kernel(ypt, ytt, bt)
    tc_out = _tc_kernel(ytr, ypt, B)
    return jnp.sum(sc_out) + jnp.sum(tc_out)

# --- scband reference (transcript-rebuilt; emitter-appended) ---
"""Pipeline reference for scband-score-blosum-24610162606541 (READ-ONLY COPY).

The authoritative reference and input builder live on the scoring server;
editing this copy changes nothing except your own understanding.
"""

import jax, jax.numpy as jnp
import numpy as np


def setup_inputs(seed: int = 0) -> dict:
    key = jax.random.key(seed)
    k1, k2, k3 = jax.random.split(key, 3)
    y_true = jax.random.randint(k1, (16384, 200), 0, 24, dtype=jnp.int64)
    y_pred = jax.random.normal(k2, (16384, 200, 24), dtype=jnp.float32)
    # BLOSUM substitution matrix (24x24 alphabet incl. B, Z, X, *); random stand-in
    B = jax.random.normal(k3, (24, 24), dtype=jnp.float32)
    return {"y_true": y_true, "y_pred": y_pred, "B": B}


def reference(y_true, y_pred, B):
    # self.B = B.T (done at __init__ in the torch module)
    Bt = jnp.transpose(B, (1, 0))
    # row-gather from the 24x24 substitution matrix per token (embedding lookup)
    gathered = jnp.take(Bt, y_true.reshape(-1), axis=0)            # [N, 24]
    yp = y_pred.reshape(-1, y_pred.shape[-1])                      # [N, 24]
    return jnp.sum(gathered * yp)

if __name__ == "__main__":
    import jax
    _d = setup_inputs()
    print(jax.jit(kernel)(*tuple(_d.values())))

</pallas_src>

<mosaic_0001>
#map = affine_map<(d0, d1) -> (0, 0, 0)>
#map1 = affine_map<(d0, d1) -> (0, 0)>
#map2 = affine_map<(d0, d1) -> (0)>
module attributes {stable_mosaic.version = 14 : i64} {
  func.func @_sc_kernel(%arg0: i32, %arg1: i32, %arg2: memref<200x24x16384xf32, #tpu.memory_space<hbm>>, %arg3: memref<200x16384xi32, #tpu.memory_space<hbm>>, %arg4: memref<576xf32, #tpu.memory_space<hbm>>, %arg5: memref<32x16xf32, #tpu.memory_space<hbm>>, %arg6: memref<576xf32, #tpu.memory_space<vmem>>, %arg7: memref<512xi32, #tpu.memory_space<vmem>>, %arg8: memref<512xi32, #tpu.memory_space<vmem>>, %arg9: memref<24x512xf32, #tpu.memory_space<vmem>>, %arg10: memref<24x512xf32, #tpu.memory_space<vmem>>, %arg11: memref<16xf32, #tpu.memory_space<vmem>>, %arg12: memref<!tpu.dma_semaphore, #tpu.memory_space<semaphore_mem>>, %arg13: memref<!tpu.dma_semaphore, #tpu.memory_space<semaphore_mem>>) attributes {dimension_semantics = [#tpu.dimension_semantics<core_parallel>, #tpu.dimension_semantics<subcore_parallel>], iteration_bounds = array<i64: 2, 16>, scalar_prefetch = 0 : i64, scratch_operands = 8 : i64, tpu.core_type = #tpu.core_type<sc_vector_subcore>, window_params = [{transform_indices = #map}, {transform_indices = #map1}, {transform_indices = #map2}, {transform_indices = #map1}]} {
    %mul3A = arith.constant 2 : i32
    %mul3A_0 = arith.muli %arg1, %mul3A : i32
    %add3A = arith.addi %mul3A_0, %arg0 : i32
    %mul3A_1 = arith.constant 512 : i32
    %mul3A_2 = arith.muli %arg1, %mul3A_1 : i32
    %mul3A_3 = arith.constant 100 : i32
    %mul3A_4 = arith.muli %arg0, %mul3A_3 : i32
    "tpu.region"() ({
      %run_scoped3A = tpu.sem_alloc : memref<!tpu.dma_semaphore, #tpu.memory_space<semaphore_mem>>
      tpu.enqueue_dma source(%arg4 : memref<576xf32, #tpu.memory_space<hbm>>) target(%arg6 : memref<576xf32, #tpu.memory_space<vmem>>) target_semaphore(%run_scoped3A : memref<!tpu.dma_semaphore, #tpu.memory_space<semaphore_mem>>)
      tpu.wait_dma2 semaphore(%run_scoped3A : memref<!tpu.dma_semaphore, #tpu.memory_space<semaphore_mem>>) src(%arg4 : memref<576xf32, #tpu.memory_space<hbm>>) dst(%arg6 : memref<576xf32, #tpu.memory_space<vmem>>)
      tpu.yield
    }) : () -> ()
    %add3A_5 = arith.constant 0 : i32
    %add3A_6 = arith.addi %mul3A_4, %add3A_5 : i32
    %dma_start3A = tpu.memref_slice %arg3[%add3A_6, %mul3A_2] : memref<200x16384xi32, #tpu.memory_space<hbm>> -> memref<1x512xi32, #tpu.memory_space<hbm>>
    %dma_start3A_7 = tpu.memref_squeeze %dma_start3A : memref<1x512xi32, #tpu.memory_space<hbm>> -> memref<512xi32, #tpu.memory_space<hbm>>
    %dma_start3A_8 = tpu.memref_slice %arg3[%add3A_6, %mul3A_2] : memref<200x16384xi32, #tpu.memory_space<hbm>> -> memref<1x512xi32, #tpu.memory_space<hbm>>
    %dma_start3A_9 = tpu.memref_squeeze %dma_start3A_8 : memref<1x512xi32, #tpu.memory_space<hbm>> -> memref<512xi32, #tpu.memory_space<hbm>>
    tpu.enqueue_dma source(%dma_start3A_9 : memref<512xi32, #tpu.memory_space<hbm>>) target(%arg7 : memref<512xi32, #tpu.memory_space<vmem>>) target_semaphore(%arg12 : memref<!tpu.dma_semaphore, #tpu.memory_space<semaphore_mem>>)
    %dma_start3A_10 = arith.constant 0 : i32
    %dma_start3A_11 = tpu.memref_slice %arg2[%add3A_6, %dma_start3A_10, %mul3A_2] : memref<200x24x16384xf32, #tpu.memory_space<hbm>> -> memref<1x24x512xf32, #tpu.memory_space<hbm>>
    %dma_start3A_12 = tpu.memref_squeeze %dma_start3A_11 : memref<1x24x512xf32, #tpu.memory_space<hbm>> -> memref<24x512xf32, #tpu.memory_space<hbm>>
    %dma_start3A_13 = arith.constant 0 : i32
    %dma_start3A_14 = tpu.memref_slice %arg2[%add3A_6, %dma_start3A_13, %mul3A_2] : memref<200x24x16384xf32, #tpu.memory_space<hbm>> -> memref<1x24x512xf32, #tpu.memory_space<hbm>>
    %dma_start3A_15 = tpu.memref_squeeze %dma_start3A_14 : memref<1x24x512xf32, #tpu.memory_space<hbm>> -> memref<24x512xf32, #tpu.memory_space<hbm>>
    tpu.enqueue_dma source(%dma_start3A_15 : memref<24x512xf32, #tpu.memory_space<hbm>>) target(%arg9 : memref<24x512xf32, #tpu.memory_space<vmem>>) target_semaphore(%arg12 : memref<!tpu.dma_semaphore, #tpu.memory_space<semaphore_mem>>)
    %add3A_16 = arith.constant 1 : i32
    %add3A_17 = arith.addi %mul3A_4, %add3A_16 : i32
    %dma_start3A_18 = tpu.memref_slice %arg3[%add3A_17, %mul3A_2] : memref<200x16384xi32, #tpu.memory_space<hbm>> -> memref<1x512xi32, #tpu.memory_space<hbm>>
    %dma_start3A_19 = tpu.memref_squeeze %dma_start3A_18 : memref<1x512xi32, #tpu.memory_space<hbm>> -> memref<512xi32, #tpu.memory_space<hbm>>
    %dma_start3A_20 = tpu.memref_slice %arg3[%add3A_17, %mul3A_2] : memref<200x16384xi32, #tpu.memory_space<hbm>> -> memref<1x512xi32, #tpu.memory_space<hbm>>
    %dma_start3A_21 = tpu.memref_squeeze %dma_start3A_20 : memref<1x512xi32, #tpu.memory_space<hbm>> -> memref<512xi32, #tpu.memory_space<hbm>>
    tpu.enqueue_dma source(%dma_start3A_21 : memref<512xi32, #tpu.memory_space<hbm>>) target(%arg8 : memref<512xi32, #tpu.memory_space<vmem>>) target_semaphore(%arg13 : memref<!tpu.dma_semaphore, #tpu.memory_space<semaphore_mem>>)
    %dma_start3A_22 = arith.constant 0 : i32
    %dma_start3A_23 = tpu.memref_slice %arg2[%add3A_17, %dma_start3A_22, %mul3A_2] : memref<200x24x16384xf32, #tpu.memory_space<hbm>> -> memref<1x24x512xf32, #tpu.memory_space<hbm>>
    %dma_start3A_24 = tpu.memref_squeeze %dma_start3A_23 : memref<1x24x512xf32, #tpu.memory_space<hbm>> -> memref<24x512xf32, #tpu.memory_space<hbm>>
    %dma_start3A_25 = arith.constant 0 : i32
    %dma_start3A_26 = tpu.memref_slice %arg2[%add3A_17, %dma_start3A_25, %mul3A_2] : memref<200x24x16384xf32, #tpu.memory_space<hbm>> -> memref<1x24x512xf32, #tpu.memory_space<hbm>>
    %dma_start3A_27 = tpu.memref_squeeze %dma_start3A_26 : memref<1x24x512xf32, #tpu.memory_space<hbm>> -> memref<24x512xf32, #tpu.memory_space<hbm>>
    tpu.enqueue_dma source(%dma_start3A_27 : memref<24x512xf32, #tpu.memory_space<hbm>>) target(%arg10 : memref<24x512xf32, #tpu.memory_space<vmem>>) target_semaphore(%arg13 : memref<!tpu.dma_semaphore, #tpu.memory_space<semaphore_mem>>)
    %broadcast_in_dim3A = arith.constant 0.000000e+00 : f32
    %broadcast_in_dim3A_28 = vector.broadcast %broadcast_in_dim3A : f32 to vector<16xf32>
    %scan3A = arith.constant 0 : i32
    %scan3A_29 = arith.constant 50 : i32
    %scan3A_30 = arith.addi %scan3A, %scan3A_29 : i32
    %scan3A_31 = arith.constant 1 : i32
    %scan3A_32:4 = scf.for %scan3A_38 = %scan3A to %scan3A_30 step %scan3A_31 iter_args(%scan3A_39 = %broadcast_in_dim3A_28, %scan3A_40 = %broadcast_in_dim3A_28, %scan3A_41 = %broadcast_in_dim3A_28, %scan3A_42 = %broadcast_in_dim3A_28) -> (vector<16xf32>, vector<16xf32>, vector<16xf32>, vector<16xf32>)  : i32 {
      %mul3A_43 = arith.constant 2 : i32
      %mul3A_44 = arith.muli %mul3A_43, %scan3A_38 : i32
      %add3A_45 = arith.constant 0 : i32
      %add3A_46 = arith.addi %mul3A_44, %add3A_45 : i32
      %dma_wait3A = arith.constant 0 : i32
      %dma_wait3A_47 = arith.constant 0 : i32
      %dma_wait3A_48 = tpu.memref_slice %arg3[%dma_wait3A, %dma_wait3A_47] : memref<200x16384xi32, #tpu.memory_space<hbm>> -> memref<1x512xi32, #tpu.memory_space<hbm>>
      %dma_wait3A_49 = tpu.memref_squeeze %dma_wait3A_48 : memref<1x512xi32, #tpu.memory_space<hbm>> -> memref<512xi32, #tpu.memory_space<hbm>>
      %dma_wait3A_50 = arith.constant 0 : i32
      %dma_wait3A_51 = tpu.memref_slice %arg3[%dma_wait3A, %dma_wait3A_50] : memref<200x16384xi32, #tpu.memory_space<hbm>> -> memref<1x512xi32, #tpu.memory_space<hbm>>
      %dma_wait3A_52 = tpu.memref_squeeze %dma_wait3A_51 : memref<1x512xi32, #tpu.memory_space<hbm>> -> memref<512xi32, #tpu.memory_space<hbm>>
      tpu.wait_dma2 semaphore(%arg12 : memref<!tpu.dma_semaphore, #tpu.memory_space<semaphore_mem>>) src(%dma_wait3A_52 : memref<512xi32, #tpu.memory_space<hbm>>) dst(%arg7 : memref<512xi32, #tpu.memory_space<vmem>>)
      %dma_wait3A_53 = arith.constant 0 : i32
      %dma_wait3A_54 = arith.constant 0 : i32
      %dma_wait3A_55 = arith.constant 0 : i32
      %dma_wait3A_56 = tpu.memref_slice %arg2[%dma_wait3A_53, %dma_wait3A_54, %dma_wait3A_55] : memref<200x24x16384xf32, #tpu.memory_space<hbm>> -> memref<1x24x512xf32, #tpu.memory_space<hbm>>
      %dma_wait3A_57 = tpu.memref_squeeze %dma_wait3A_56 : memref<1x24x512xf32, #tpu.memory_space<hbm>> -> memref<24x512xf32, #tpu.memory_space<hbm>>
      %dma_wait3A_58 = arith.constant 0 : i32
      %dma_wait3A_59 = arith.constant 0 : i32
      %dma_wait3A_60 = tpu.memref_slice %arg2[%dma_wait3A_53, %dma_wait3A_58, %dma_wait3A_59] : memref<200x24x16384xf32, #tpu.memory_space<hbm>> -> memref<1x24x512xf32, #tpu.memory_space<hbm>>
      %dma_wait3A_61 = tpu.memref_squeeze %dma_wait3A_60 : memref<1x24x512xf32, #tpu.memory_space<hbm>> -> memref<24x512xf32, #tpu.memory_space<hbm>>
      tpu.wait_dma2 semaphore(%arg12 : memref<!tpu.dma_semaphore, #tpu.memory_space<semaphore_mem>>) src(%dma_wait3A_61 : memref<24x512xf32, #tpu.memory_space<hbm>>) dst(%arg9 : memref<24x512xf32, #tpu.memory_space<vmem>>)
      %scan3A_62 = arith.constant 0 : i32
      %scan3A_63 = arith.constant 32 : i32
      %scan3A_64 = arith.addi %scan3A_62, %scan3A_63 : i32
      %scan3A_65 = arith.constant 1 : i32
      %scan3A_66:4 = scf.for %scan3A_105 = %scan3A_62 to %scan3A_64 step %scan3A_65 iter_args(%scan3A_106 = %scan3A_39, %scan3A_107 = %scan3A_40, %scan3A_108 = %scan3A_41, %scan3A_109 = %scan3A_42) -> (vector<16xf32>, vector<16xf32>, vector<16xf32>, vector<16xf32>)  : i32 {
        %mul3A_110 = arith.constant 16 : i32
        %mul3A_111 = arith.muli %scan3A_105, %mul3A_110 : i32
        %get3A = arith.index_cast %mul3A_111 : i32 to index
        %get3A_112 = tpu.vector_load %arg7[%get3A] {strides = array<i32>} : memref<512xi32, #tpu.memory_space<vmem>>, vector<16xi32>,
        %mul3A_113 = arith.constant 24 : i32
        %mul3A_114 = vector.broadcast %mul3A_113 : i32 to vector<16xi32>
        %mul3A_115 = arith.muli %get3A_112, %mul3A_114 : vector<16xi32>
        %add3A_116 = arith.constant 0 : i32
        %add3A_117 = vector.broadcast %add3A_116 : i32 to vector<16xi32>
        %add3A_118 = arith.addi %mul3A_115, %add3A_117 : vector<16xi32>
        %gather3A = tpu.vector_load_idx %arg6[%add3A_118] : memref<576xf32, #tpu.memory_space<vmem>>[vector<16xi32>], vector<16xf32>,
        %mul3A_119 = arith.constant 16 : i32
        %mul3A_120 = arith.muli %scan3A_105, %mul3A_119 : i32
        %get3A_121 = arith.constant 0 : i32
        %get3A_122 = arith.index_cast %get3A_121 : i32 to index
        %get3A_123 = arith.index_cast %mul3A_120 : i32 to index
        %get3A_124 = tpu.vector_load %arg9[%get3A_122, %get3A_123] {strides = array<i32>} : memref<24x512xf32, #tpu.memory_space<vmem>>, vector<16xf32>,
        %mul3A_125 = arith.mulf %get3A_124, %gather3A : vector<16xf32>
        %add3A_126 = arith.addf %scan3A_106, %mul3A_125 : vector<16xf32>
        %add3A_127 = arith.constant 1 : i32
        %add3A_128 = vector.broadcast %add3A_127 : i32 to vector<16xi32>
        %add3A_129 = arith.addi %mul3A_115, %add3A_128 : vector<16xi32>
        %gather3A_130 = tpu.vector_load_idx %arg6[%add3A_129] : memref<576xf32, #tpu.memory_space<vmem>>[vector<16xi32>], vector<16xf32>,
        %mul3A_131 = arith.constant 16 : i32
        %mul3A_132 = arith.muli %scan3A_105, %mul3A_131 : i32
        %get3A_133 = arith.constant 1 : i32
        %get3A_134 = arith.index_cast %get3A_133 : i32 to index
        %get3A_135 = arith.index_cast %mul3A_132 : i32 to index
        %get3A_136 = tpu.vector_load %arg9[%get3A_134, %get3A_135] {strides = array<i32>} : memref<24x512xf32, #tpu.memory_space<vmem>>, vector<16xf32>,
        %mul3A_137 = arith.mulf %get3A_136, %gather3A_130 : vector<16xf32>
        %add3A_138 = arith.addf %scan3A_107, %mul3A_137 : vector<16xf32>
        %add3A_139 = arith.constant 2 : i32
        %add3A_140 = vector.broadcast %add3A_139 : i32 to vector<16xi32>
        %add3A_141 = arith.addi %mul3A_115, %add3A_140 : vector<16xi32>
        %gather3A_142 = tpu.vector_load_idx %arg6[%add3A_141] : memref<576xf32, #tpu.memory_space<vmem>>[vector<16xi32>], vector<16xf32>,
        %mul3A_143 = arith.constant 16 : i32
        %mul3A_144 = arith.muli %scan3A_105, %mul3A_143 : i32
        %get3A_145 = arith.constant 2 : i32
        %get3A_146 = arith.index_cast %get3A_145 : i32 to index
        %get3A_147 = arith.index_cast %mul3A_144 : i32 to index
        %get3A_148 = tpu.vector_load %arg9[%get3A_146, %get3A_147] {strides = array<i32>} : memref<24x512xf32, #tpu.memory_space<vmem>>, vector<16xf32>,
        %mul3A_149 = arith.mulf %get3A_148, %gather3A_142 : vector<16xf32>
        %add3A_150 = arith.addf %scan3A_108, %mul3A_149 : vector<16xf32>
        %add3A_151 = arith.constant 3 : i32
        %add3A_152 = vector.broadcast %add3A_151 : i32 to vector<16xi32>
        %add3A_153 = arith.addi %mul3A_115, %add3A_152 : vector<16xi32>
        %gather3A_154 = tpu.vector_load_idx %arg6[%add3A_153] : memref<576xf32, #tpu.memory_space<vmem>>[vector<16xi32>], vector<16xf32>,
        %mul3A_155 = arith.constant 16 : i32
        %mul3A_156 = arith.muli %scan3A_105, %mul3A_155 : i32
        %get3A_157 = arith.constant 3 : i32
        %get3A_158 = arith.index_cast %get3A_157 : i32 to index
        %get3A_159 = arith.index_cast %mul3A_156 : i32 to index
        %get3A_160 = tpu.vector_load %arg9[%get3A_158, %get3A_159] {strides = array<i32>} : memref<24x512xf32, #tpu.memory_space<vmem>>, vector<16xf32>,
        %mul3A_161 = arith.mulf %get3A_160, %gather3A_154 : vector<16xf32>
        %add3A_162 = arith.addf %scan3A_109, %mul3A_161 : vector<16xf32>
        %add3A_163 = arith.constant 4 : i32
        %add3A_164 = vector.broadcast %add3A_163 : i32 to vector<16xi32>
        %add3A_165 = arith.addi %mul3A_115, %add3A_164 : vector<16xi32>
        %gather3A_166 = tpu.vector_load_idx %arg6[%add3A_165] : memref<576xf32, #tpu.memory_space<vmem>>[vector<16xi32>], vector<16xf32>,
        %mul3A_167 = arith.constant 16 : i32
        %mul3A_168 = arith.muli %scan3A_105, %mul3A_167 : i32
        %get3A_169 = arith.constant 4 : i32
        %get3A_170 = arith.index_cast %get3A_169 : i32 to index
        %get3A_171 = arith.index_cast %mul3A_168 : i32 to index
        %get3A_172 = tpu.vector_load %arg9[%get3A_170, %get3A_171] {strides = array<i32>} : memref<24x512xf32, #tpu.memory_space<vmem>>, vector<16xf32>,
        %mul3A_173 = arith.mulf %get3A_172, %gather3A_166 : vector<16xf32>
        %add3A_174 = arith.addf %add3A_126, %mul3A_173 : vector<16xf32>
        %add3A_175 = arith.constant 5 : i32
        %add3A_176 = vector.broadcast %add3A_175 : i32 to vector<16xi32>
        %add3A_177 = arith.addi %mul3A_115, %add3A_176 : vector<16xi32>
        %gather3A_178 = tpu.vector_load_idx %arg6[%add3A_177] : memref<576xf32, #tpu.memory_space<vmem>>[vector<16xi32>], vector<16xf32>,
        %mul3A_179 = arith.constant 16 : i32
        %mul3A_180 = arith.muli %scan3A_105, %mul3A_179 : i32
        %get3A_181 = arith.constant 5 : i32
        %get3A_182 = arith.index_cast %get3A_181 : i32 to index
        %get3A_183 = arith.index_cast %mul3A_180 : i32 to index
        %get3A_184 = tpu.vector_load %arg9[%get3A_182, %get3A_183] {strides = array<i32>} : memref<24x512xf32, #tpu.memory_space<vmem>>, vector<16xf32>,
        %mul3A_185 = arith.mulf %get3A_184, %gather3A_178 : vector<16xf32>
        %add3A_186 = arith.addf %add3A_138, %mul3A_185 : vector<16xf32>
        %add3A_187 = arith.constant 6 : i32
        %add3A_188 = vector.broadcast %add3A_187 : i32 to vector<16xi32>
        %add3A_189 = arith.addi %mul3A_115, %add3A_188 : vector<16xi32>
        %gather3A_190 = tpu.vector_load_idx %arg6[%add3A_189] : memref<576xf32, #tpu.memory_space<vmem>>[vector<16xi32>], vector<16xf32>,
        %mul3A_191 = arith.constant 16 : i32
        %mul3A_192 = arith.muli %scan3A_105, %mul3A_191 : i32
        %get3A_193 = arith.constant 6 : i32
        %get3A_194 = arith.index_cast %get3A_193 : i32 to index
        %get3A_195 = arith.index_cast %mul3A_192 : i32 to index
        %get3A_196 = tpu.vector_load %arg9[%get3A_194, %get3A_195] {strides = array<i32>} : memref<24x512xf32, #tpu.memory_space<vmem>>, vector<16xf32>,
        %mul3A_197 = arith.mulf %get3A_196, %gather3A_190 : vector<16xf32>
        %add3A_198 = arith.addf %add3A_150, %mul3A_197 : vector<16xf32>
        %add3A_199 = arith.constant 7 : i32
        %add3A_200 = vector.broadcast %add3A_199 : i32 to vector<16xi32>
        %add3A_201 = arith.addi %mul3A_115, %add3A_200 : vector<16xi32>
        %gather3A_202 = tpu.vector_load_idx %arg6[%add3A_201] : memref<576xf32, #tpu.memory_space<vmem>>[vector<16xi32>], vector<16xf32>,
        %mul3A_203 = arith.constant 16 : i32
        %mul3A_204 = arith.muli %scan3A_105, %mul3A_203 : i32
        %get3A_205 = arith.constant 7 : i32
        %get3A_206 = arith.index_cast %get3A_205 : i32 to index
        %get3A_207 = arith.index_cast %mul3A_204 : i32 to index
        %get3A_208 = tpu.vector_load %arg9[%get3A_206, %get3A_207] {strides = array<i32>} : memref<24x512xf32, #tpu.memory_space<vmem>>, vector<16xf32>,
        %mul3A_209 = arith.mulf %get3A_208, %gather3A_202 : vector<16xf32>
        %add3A_210 = arith.addf %add3A_162, %mul3A_209 : vector<16xf32>
        %add3A_211 = arith.constant 8 : i32
        %add3A_212 = vector.broadcast %add3A_211 : i32 to vector<16xi32>
        %add3A_213 = arith.addi %mul3A_115, %add3A_212 : vector<16xi32>
        %gather3A_214 = tpu.vector_load_idx %arg6[%add3A_213] : memref<576xf32, #tpu.memory_space<vmem>>[vector<16xi32>], vector<16xf32>,
        %mul3A_215 = arith.constant 16 : i32
        %mul3A_216 = arith.muli %scan3A_105, %mul3A_215 : i32
        %get3A_217 = arith.constant 8 : i32
        %get3A_218 = arith.index_cast %get3A_217 : i32 to index
        %get3A_219 = arith.index_cast %mul3A_216 : i32 to index
        %get3A_220 = tpu.vector_load %arg9[%get3A_218, %get3A_219] {strides = array<i32>} : memref<24x512xf32, #tpu.memory_space<vmem>>, vector<16xf32>,
        %mul3A_221 = arith.mulf %get3A_220, %gather3A_214 : vector<16xf32>
        %add3A_222 = arith.addf %add3A_174, %mul3A_221 : vector<16xf32>
        %add3A_223 = arith.constant 9 : i32
        %add3A_224 = vector.broadcast %add3A_223 : i32 to vector<16xi32>
        %add3A_225 = arith.addi %mul3A_115, %add3A_224 : vector<16xi32>
        %gather3A_226 = tpu.vector_load_idx %arg6[%add3A_225] : memref<576xf32, #tpu.memory_space<vmem>>[vector<16xi32>], vector<16xf32>,
        %mul3A_227 = arith.constant 16 : i32
        %mul3A_228 = arith.muli %scan3A_105, %mul3A_227 : i32
        %get3A_229 = arith.constant 9 : i32
        %get3A_230 = arith.index_cast %get3A_229 : i32 to index
        %get3A_231 = arith.index_cast %mul3A_228 : i32 to index
        %get3A_232 = tpu.vector_load %arg9[%get3A_230, %get3A_231] {strides = array<i32>} : memref<24x512xf32, #tpu.memory_space<vmem>>, vector<16xf32>,
        %mul3A_233 = arith.mulf %get3A_232, %gather3A_226 : vector<16xf32>
        %add3A_234 = arith.addf %add3A_186, %mul3A_233 : vector<16xf32>
        %add3A_235 = arith.constant 10 : i32
        %add3A_236 = vector.broadcast %add3A_235 : i32 to vector<16xi32>
        %add3A_237 = arith.addi %mul3A_115, %add3A_236 : vector<16xi32>
        %gather3A_238 = tpu.vector_load_idx %arg6[%add3A_237] : memref<576xf32, #tpu.memory_space<vmem>>[vector<16xi32>], vector<16xf32>,
        %mul3A_239 = arith.constant 16 : i32
        %mul3A_240 = arith.muli %scan3A_105, %mul3A_239 : i32
        %get3A_241 = arith.constant 10 : i32
        %get3A_242 = arith.index_cast %get3A_241 : i32 to index
        %get3A_243 = arith.index_cast %mul3A_240 : i32 to index
        %get3A_244 = tpu.vector_load %arg9[%get3A_242, %get3A_243] {strides = array<i32>} : memref<24x512xf32, #tpu.memory_space<vmem>>, vector<16xf32>,
        %mul3A_245 = arith.mulf %get3A_244, %gather3A_238 : vector<16xf32>
        %add3A_246 = arith.addf %add3A_198, %mul3A_245 : vector<16xf32>
        %add3A_247 = arith.constant 11 : i32
        %add3A_248 = vector.broadcast %add3A_247 : i32 to vector<16xi32>
        %add3A_249 = arith.addi %mul3A_115, %add3A_248 : vector<16xi32>
        %gather3A_250 = tpu.vector_load_idx %arg6[%add3A_249] : memref<576xf32, #tpu.memory_space<vmem>>[vector<16xi32>], vector<16xf32>,
        %mul3A_251 = arith.constant 16 : i32
        %mul3A_252 = arith.muli %scan3A_105, %mul3A_251 : i32
        %get3A_253 = arith.constant 11 : i32
        %get3A_254 = arith.index_cast %get3A_253 : i32 to index
        %get3A_255 = arith.index_cast %mul3A_252 : i32 to index
        %get3A_256 = tpu.vector_load %arg9[%get3A_254, %get3A_255] {strides = array<i32>} : memref<24x512xf32, #tpu.memory_space<vmem>>, vector<16xf32>,
        %mul3A_257 = arith.mulf %get3A_256, %gather3A_250 : vector<16xf32>
        %add3A_258 = arith.addf %add3A_210, %mul3A_257 : vector<16xf32>
        %add3A_259 = arith.constant 12 : i32
        %add3A_260 = vector.broadcast %add3A_259 : i32 to vector<16xi32>
        %add3A_261 = arith.addi %mul3A_115, %add3A_260 : vector<16xi32>
        %gather3A_262 = tpu.vector_load_idx %arg6[%add3A_261] : memref<576xf32, #tpu.memory_space<vmem>>[vector<16xi32>], vector<16xf32>,
        %mul3A_263 = arith.constant 16 : i32
        %mul3A_264 = arith.muli %scan3A_105, %mul3A_263 : i32
        %get3A_265 = arith.constant 12 : i32
        %get3A_266 = arith.index_cast %get3A_265 : i32 to index
        %get3A_267 = arith.index_cast %mul3A_264 : i32 to index
        %get3A_268 = tpu.vector_load %arg9[%get3A_266, %get3A_267] {strides = array<i32>} : memref<24x512xf32, #tpu.memory_space<vmem>>, vector<16xf32>,
        %mul3A_269 = arith.mulf %get3A_268, %gather3A_262 : vector<16xf32>
        %add3A_270 = arith.addf %add3A_222, %mul3A_269 : vector<16xf32>
        %add3A_271 = arith.constant 13 : i32
        %add3A_272 = vector.broadcast %add3A_271 : i32 to vector<16xi32>
        %add3A_273 = arith.addi %mul3A_115, %add3A_272 : vector<16xi32>
        %gather3A_274 = tpu.vector_load_idx %arg6[%add3A_273] : memref<576xf32, #tpu.memory_space<vmem>>[vector<16xi32>], vector<16xf32>,
        %mul3A_275 = arith.constant 16 : i32
        %mul3A_276 = arith.muli %scan3A_105, %mul3A_275 : i32
        %get3A_277 = arith.constant 13 : i32
        %get3A_278 = arith.index_cast %get3A_277 : i32 to index
        %get3A_279 = arith.index_cast %mul3A_276 : i32 to index
        %get3A_280 = tpu.vector_load %arg9[%get3A_278, %get3A_279] {strides = array<i32>} : memref<24x512xf32, #tpu.memory_space<vmem>>, vector<16xf32>,
        %mul3A_281 = arith.mulf %get3A_280, %gather3A_274 : vector<16xf32>
        %add3A_282 = arith.addf %add3A_234, %mul3A_281 : vector<16xf32>
        %add3A_283 = arith.constant 14 : i32
        %add3A_284 = vector.broadcast %add3A_283 : i32 to vector<16xi32>
        %add3A_285 = arith.addi %mul3A_115, %add3A_284 : vector<16xi32>
        %gather3A_286 = tpu.vector_load_idx %arg6[%add3A_285] : memref<576xf32, #tpu.memory_space<vmem>>[vector<16xi32>], vector<16xf32>,
        %mul3A_287 = arith.constant 16 : i32
        %mul3A_288 = arith.muli %scan3A_105, %mul3A_287 : i32
        %get3A_289 = arith.constant 14 : i32
        %get3A_290 = arith.index_cast %get3A_289 : i32 to index
        %get3A_291 = arith.index_cast %mul3A_288 : i32 to index
        %get3A_292 = tpu.vector_load %arg9[%get3A_290, %get3A_291] {strides = array<i32>} : memref<24x512xf32, #tpu.memory_space<vmem>>, vector<16xf32>,
        %mul3A_293 = arith.mulf %get3A_292, %gather3A_286 : vector<16xf32>
        %add3A_294 = arith.addf %add3A_246, %mul3A_293 : vector<16xf32>
        %add3A_295 = arith.constant 15 : i32
        %add3A_296 = vector.broadcast %add3A_295 : i32 to vector<16xi32>
        %add3A_297 = arith.addi %mul3A_115, %add3A_296 : vector<16xi32>
        %gather3A_298 = tpu.vector_load_idx %arg6[%add3A_297] : memref<576xf32, #tpu.memory_space<vmem>>[vector<16xi32>], vector<16xf32>,
        %mul3A_299 = arith.constant 16 : i32
        %mul3A_300 = arith.muli %scan3A_105, %mul3A_299 : i32
        %get3A_301 = arith.constant 15 : i32
        %get3A_302 = arith.index_cast %get3A_301 : i32 to index
        %get3A_303 = arith.index_cast %mul3A_300 : i32 to index
        %get3A_304 = tpu.vector_load %arg9[%get3A_302, %get3A_303] {strides = array<i32>} : memref<24x512xf32, #tpu.memory_space<vmem>>, vector<16xf32>,
        %mul3A_305 = arith.mulf %get3A_304, %gather3A_298 : vector<16xf32>
        %add3A_306 = arith.addf %add3A_258, %mul3A_305 : vector<16xf32>
        %add3A_307 = arith.constant 16 : i32
        %add3A_308 = vector.broadcast %add3A_307 : i32 to vector<16xi32>
        %add3A_309 = arith.addi %mul3A_115, %add3A_308 : vector<16xi32>
        %gather3A_310 = tpu.vector_load_idx %arg6[%add3A_309] : memref<576xf32, #tpu.memory_space<vmem>>[vector<16xi32>], vector<16xf32>,
        %mul3A_311 = arith.constant 16 : i32
        %mul3A_312 = arith.muli %scan3A_105, %mul3A_311 : i32
        %get3A_313 = arith.constant 16 : i32
        %get3A_314 = arith.index_cast %get3A_313 : i32 to index
        %get3A_315 = arith.index_cast %mul3A_312 : i32 to index
        %get3A_316 = tpu.vector_load %arg9[%get3A_314, %get3A_315] {strides = array<i32>} : memref<24x512xf32, #tpu.memory_space<vmem>>, vector<16xf32>,
        %mul3A_317 = arith.mulf %get3A_316, %gather3A_310 : vector<16xf32>
        %add3A_318 = arith.addf %add3A_270, %mul3A_317 : vector<16xf32>
        %add3A_319 = arith.constant 17 : i32
        %add3A_320 = vector.broadcast %add3A_319 : i32 to vector<16xi32>
        %add3A_321 = arith.addi %mul3A_115, %add3A_320 : vector<16xi32>
        %gather3A_322 = tpu.vector_load_idx %arg6[%add3A_321] : memref<576xf32, #tpu.memory_space<vmem>>[vector<16xi32>], vector<16xf32>,
        %mul3A_323 = arith.constant 16 : i32
        %mul3A_324 = arith.muli %scan3A_105, %mul3A_323 : i32
        %get3A_325 = arith.constant 17 : i32
        %get3A_326 = arith.index_cast %get3A_325 : i32 to index
        %get3A_327 = arith.index_cast %mul3A_324 : i32 to index
        %get3A_328 = tpu.vector_load %arg9[%get3A_326, %get3A_327] {strides = array<i32>} : memref<24x512xf32, #tpu.memory_space<vmem>>, vector<16xf32>,
        %mul3A_329 = arith.mulf %get3A_328, %gather3A_322 : vector<16xf32>
        %add3A_330 = arith.addf %add3A_282, %mul3A_329 : vector<16xf32>
        %add3A_331 = arith.constant 18 : i32
        %add3A_332 = vector.broadcast %add3A_331 : i32 to vector<16xi32>
        %add3A_333 = arith.addi %mul3A_115, %add3A_332 : vector<16xi32>
        %gather3A_334 = tpu.vector_load_idx %arg6[%add3A_333] : memref<576xf32, #tpu.memory_space<vmem>>[vector<16xi32>], vector<16xf32>,
        %mul3A_335 = arith.constant 16 : i32
        %mul3A_336 = arith.muli %scan3A_105, %mul3A_335 : i32
        %get3A_337 = arith.constant 18 : i32
        %get3A_338 = arith.index_cast %get3A_337 : i32 to index
        %get3A_339 = arith.index_cast %mul3A_336 : i32 to index
        %get3A_340 = tpu.vector_load %arg9[%get3A_338, %get3A_339] {strides = array<i32>} : memref<24x512xf32, #tpu.memory_space<vmem>>, vector<16xf32>,
        %mul3A_341 = arith.mulf %get3A_340, %gather3A_334 : vector<16xf32>
        %add3A_342 = arith.addf %add3A_294, %mul3A_341 : vector<16xf32>
        %add3A_343 = arith.constant 19 : i32
        %add3A_344 = vector.broadcast %add3A_343 : i32 to vector<16xi32>
        %add3A_345 = arith.addi %mul3A_115, %add3A_344 : vector<16xi32>
        %gather3A_346 = tpu.vector_load_idx %arg6[%add3A_345] : memref<576xf32, #tpu.memory_space<vmem>>[vector<16xi32>], vector<16xf32>,
        %mul3A_347 = arith.constant 16 : i32
        %mul3A_348 = arith.muli %scan3A_105, %mul3A_347 : i32
        %get3A_349 = arith.constant 19 : i32
        %get3A_350 = arith.index_cast %get3A_349 : i32 to index
        %get3A_351 = arith.index_cast %mul3A_348 : i32 to index
        %get3A_352 = tpu.vector_load %arg9[%get3A_350, %get3A_351] {strides = array<i32>} : memref<24x512xf32, #tpu.memory_space<vmem>>, vector<16xf32>,
        %mul3A_353 = arith.mulf %get3A_352, %gather3A_346 : vector<16xf32>
        %add3A_354 = arith.addf %add3A_306, %mul3A_353 : vector<16xf32>
        %add3A_355 = arith.constant 20 : i32
        %add3A_356 = vector.broadcast %add3A_355 : i32 to vector<16xi32>
        %add3A_357 = arith.addi %mul3A_115, %add3A_356 : vector<16xi32>
        %gather3A_358 = tpu.vector_load_idx %arg6[%add3A_357] : memref<576xf32, #tpu.memory_space<vmem>>[vector<16xi32>], vector<16xf32>,
        %mul3A_359 = arith.constant 16 : i32
        %mul3A_360 = arith.muli %scan3A_105, %mul3A_359 : i32
        %get3A_361 = arith.constant 20 : i32
        %get3A_362 = arith.index_cast %get3A_361 : i32 to index
        %get3A_363 = arith.index_cast %mul3A_360 : i32 to index
        %get3A_364 = tpu.vector_load %arg9[%get3A_362, %get3A_363] {strides = array<i32>} : memref<24x512xf32, #tpu.memory_space<vmem>>, vector<16xf32>,
        %mul3A_365 = arith.mulf %get3A_364, %gather3A_358 : vector<16xf32>
        %add3A_366 = arith.addf %add3A_318, %mul3A_365 : vector<16xf32>
        %add3A_367 = arith.constant 21 : i32
        %add3A_368 = vector.broadcast %add3A_367 : i32 to vector<16xi32>
        %add3A_369 = arith.addi %mul3A_115, %add3A_368 : vector<16xi32>
        %gather3A_370 = tpu.vector_load_idx %arg6[%add3A_369] : memref<576xf32, #tpu.memory_space<vmem>>[vector<16xi32>], vector<16xf32>,
        %mul3A_371 = arith.constant 16 : i32
        %mul3A_372 = arith.muli %scan3A_105, %mul3A_371 : i32
        %get3A_373 = arith.constant 21 : i32
        %get3A_374 = arith.index_cast %get3A_373 : i32 to index
        %get3A_375 = arith.index_cast %mul3A_372 : i32 to index
        %get3A_376 = tpu.vector_load %arg9[%get3A_374, %get3A_375] {strides = array<i32>} : memref<24x512xf32, #tpu.memory_space<vmem>>, vector<16xf32>,
        %mul3A_377 = arith.mulf %get3A_376, %gather3A_370 : vector<16xf32>
        %add3A_378 = arith.addf %add3A_330, %mul3A_377 : vector<16xf32>
        %add3A_379 = arith.constant 22 : i32
        %add3A_380 = vector.broadcast %add3A_379 : i32 to vector<16xi32>
        %add3A_381 = arith.addi %mul3A_115, %add3A_380 : vector<16xi32>
        %gather3A_382 = tpu.vector_load_idx %arg6[%add3A_381] : memref<576xf32, #tpu.memory_space<vmem>>[vector<16xi32>], vector<16xf32>,
        %mul3A_383 = arith.constant 16 : i32
        %mul3A_384 = arith.muli %scan3A_105, %mul3A_383 : i32
        %get3A_385 = arith.constant 22 : i32
        %get3A_386 = arith.index_cast %get3A_385 : i32 to index
        %get3A_387 = arith.index_cast %mul3A_384 : i32 to index
        %get3A_388 = tpu.vector_load %arg9[%get3A_386, %get3A_387] {strides = array<i32>} : memref<24x512xf32, #tpu.memory_space<vmem>>, vector<16xf32>,
        %mul3A_389 = arith.mulf %get3A_388, %gather3A_382 : vector<16xf32>
        %add3A_390 = arith.addf %add3A_342, %mul3A_389 : vector<16xf32>
        %add3A_391 = arith.constant 23 : i32
        %add3A_392 = vector.broadcast %add3A_391 : i32 to vector<16xi32>
        %add3A_393 = arith.addi %mul3A_115, %add3A_392 : vector<16xi32>
        %gather3A_394 = tpu.vector_load_idx %arg6[%add3A_393] : memref<576xf32, #tpu.memory_space<vmem>>[vector<16xi32>], vector<16xf32>,
        %mul3A_395 = arith.constant 16 : i32
        %mul3A_396 = arith.muli %scan3A_105, %mul3A_395 : i32
        %get3A_397 = arith.constant 23 : i32
        %get3A_398 = arith.index_cast %get3A_397 : i32 to index
        %get3A_399 = arith.index_cast %mul3A_396 : i32 to index
        %get3A_400 = tpu.vector_load %arg9[%get3A_398, %get3A_399] {strides = array<i32>} : memref<24x512xf32, #tpu.memory_space<vmem>>, vector<16xf32>,
        %mul3A_401 = arith.mulf %get3A_400, %gather3A_394 : vector<16xf32>
        %add3A_402 = arith.addf %add3A_354, %mul3A_401 : vector<16xf32>
        scf.yield %add3A_366, %add3A_378, %add3A_390, %add3A_402 : vector<16xf32>, vector<16xf32>, vector<16xf32>, vector<16xf32>
      }
      %scan3A_67 = arith.constant 32 : i32
      %add3A_68 = arith.constant 2 : i32
      %add3A_69 = arith.addi %add3A_46, %add3A_68 : i32
      %lt3A = arith.constant 100 : i32
      %lt3A_70 = arith.cmpi slt, %add3A_69, %lt3A : i32
      %convert_element_type3A = arith.extui %lt3A_70 : i1 to i32
      %cond3A = arith.constant 0 : i32
      %cond3A_71 = arith.cmpi ne, %convert_element_type3A, %cond3A : i32
      scf.if %cond3A_71 {
        %add3A_105 = arith.constant 2 : i32
        %add3A_106 = arith.addi %add3A_46, %add3A_105 : i32
        %add3A_107 = arith.addi %mul3A_4, %add3A_106 : i32
        %dma_start3A_108 = tpu.memref_slice %arg3[%add3A_107, %mul3A_2] : memref<200x16384xi32, #tpu.memory_space<hbm>> -> memref<1x512xi32, #tpu.memory_space<hbm>>
        %dma_start3A_109 = tpu.memref_squeeze %dma_start3A_108 : memref<1x512xi32, #tpu.memory_space<hbm>> -> memref<512xi32, #tpu.memory_space<hbm>>
        %dma_start3A_110 = tpu.memref_slice %arg3[%add3A_107, %mul3A_2] : memref<200x16384xi32, #tpu.memory_space<hbm>> -> memref<1x512xi32, #tpu.memory_space<hbm>>
        %dma_start3A_111 = tpu.memref_squeeze %dma_start3A_110 : memref<1x512xi32, #tpu.memory_space<hbm>> -> memref<512xi32, #tpu.memory_space<hbm>>
        tpu.enqueue_dma source(%dma_start3A_111 : memref<512xi32, #tpu.memory_space<hbm>>) target(%arg7 : memref<512xi32, #tpu.memory_space<vmem>>) target_semaphore(%arg12 : memref<!tpu.dma_semaphore, #tpu.memory_space<semaphore_mem>>)
        %dma_start3A_112 = arith.constant 0 : i32
        %dma_start3A_113 = tpu.memref_slice %arg2[%add3A_107, %dma_start3A_112, %mul3A_2] : memref<200x24x16384xf32, #tpu.memory_space<hbm>> -> memref<1x24x512xf32, #tpu.memory_space<hbm>>
        %dma_start3A_114 = tpu.memref_squeeze %dma_start3A_113 : memref<1x24x512xf32, #tpu.memory_space<hbm>> -> memref<24x512xf32, #tpu.memory_space<hbm>>
        %dma_start3A_115 = arith.constant 0 : i32
        %dma_start3A_116 = tpu.memref_slice %arg2[%add3A_107, %dma_start3A_115, %mul3A_2] : memref<200x24x16384xf32, #tpu.memory_space<hbm>> -> memref<1x24x512xf32, #tpu.memory_space<hbm>>
        %dma_start3A_117 = tpu.memref_squeeze %dma_start3A_116 : memref<1x24x512xf32, #tpu.memory_space<hbm>> -> memref<24x512xf32, #tpu.memory_space<hbm>>
        tpu.enqueue_dma source(%dma_start3A_117 : memref<24x512xf32, #tpu.memory_space<hbm>>) target(%arg9 : memref<24x512xf32, #tpu.memory_space<vmem>>) target_semaphore(%arg12 : memref<!tpu.dma_semaphore, #tpu.memory_space<semaphore_mem>>)
      } else {
      }
      %mul3A_72 = arith.constant 2 : i32
      %mul3A_73 = arith.muli %mul3A_72, %scan3A_38 : i32
      %add3A_74 = arith.constant 1 : i32
      %add3A_75 = arith.addi %mul3A_73, %add3A_74 : i32
      %dma_wait3A_76 = arith.constant 0 : i32
      %dma_wait3A_77 = arith.constant 0 : i32
      %dma_wait3A_78 = tpu.memref_slice %arg3[%dma_wait3A_76, %dma_wait3A_77] : memref<200x16384xi32, #tpu.memory_space<hbm>> -> memref<1x512xi32, #tpu.memory_space<hbm>>
      %dma_wait3A_79 = tpu.memref_squeeze %dma_wait3A_78 : memref<1x512xi32, #tpu.memory_space<hbm>> -> memref<512xi32, #tpu.memory_space<hbm>>
      %dma_wait3A_80 = arith.constant 0 : i32
      %dma_wait3A_81 = tpu.memref_slice %arg3[%dma_wait3A_76, %dma_wait3A_80] : memref<200x16384xi32, #tpu.memory_space<hbm>> -> memref<1x512xi32, #tpu.memory_space<hbm>>
      %dma_wait3A_82 = tpu.memref_squeeze %dma_wait3A_81 : memref<1x512xi32, #tpu.memory_space<hbm>> -> memref<512xi32, #tpu.memory_space<hbm>>
      tpu.wait_dma2 semaphore(%arg13 : memref<!tpu.dma_semaphore, #tpu.memory_space<semaphore_mem>>) src(%dma_wait3A_82 : memref<512xi32, #tpu.memory_space<hbm>>) dst(%arg8 : memref<512xi32, #tpu.memory_space<vmem>>)
      %dma_wait3A_83 = arith.constant 0 : i32
      %dma_wait3A_84 = arith.constant 0 : i32
      %dma_wait3A_85 = arith.constant 0 : i32
      %dma_wait3A_86 = tpu.memref_slice %arg2[%dma_wait3A_83, %dma_wait3A_84, %dma_wait3A_85] : memref<200x24x16384xf32, #tpu.memory_space<hbm>> -> memref<1x24x512xf32, #tpu.memory_space<hbm>>
      %dma_wait3A_87 = tpu.memref_squeeze %dma_wait3A_86 : memref<1x24x512xf32, #tpu.memory_space<hbm>> -> memref<24x512xf32, #tpu.memory_space<hbm>>
      %dma_wait3A_88 = arith.constant 0 : i32
      %dma_wait3A_89 = arith.constant 0 : i32
      %dma_wait3A_90 = tpu.memref_slice %arg2[%dma_wait3A_83, %dma_wait3A_88, %dma_wait3A_89] : memref<200x24x16384xf32, #tpu.memory_space<hbm>> -> memref<1x24x512xf32, #tpu.memory_space<hbm>>
      %dma_wait3A_91 = tpu.memref_squeeze %dma_wait3A_90 : memref<1x24x512xf32, #tpu.memory_space<hbm>> -> memref<24x512xf32, #tpu.memory_space<hbm>>
      tpu.wait_dma2 semaphore(%arg13 : memref<!tpu.dma_semaphore, #tpu.memory_space<semaphore_mem>>) src(%dma_wait3A_91 : memref<24x512xf32, #tpu.memory_space<hbm>>) dst(%arg10 : memref<24x512xf32, #tpu.memory_space<vmem>>)
      %scan3A_92 = arith.constant 0 : i32
      %scan3A_93 = arith.constant 32 : i32
      %scan3A_94 = arith.addi %scan3A_92, %scan3A_93 : i32
      %scan3A_95 = arith.constant 1 : i32
      %scan3A_96:4 = scf.for %scan3A_105 = %scan3A_92 to %scan3A_94 step %scan3A_95 iter_args(%scan3A_106 = %scan3A_66#0, %scan3A_107 = %scan3A_66#1, %scan3A_108 = %scan3A_66#2, %scan3A_109 = %scan3A_66#3) -> (vector<16xf32>, vector<16xf32>, vector<16xf32>, vector<16xf32>)  : i32 {
        %mul3A_110 = arith.constant 16 : i32
        %mul3A_111 = arith.muli %scan3A_105, %mul3A_110 : i32
        %get3A = arith.index_cast %mul3A_111 : i32 to index
        %get3A_112 = tpu.vector_load %arg8[%get3A] {strides = array<i32>} : memref<512xi32, #tpu.memory_space<vmem>>, vector<16xi32>,
        %mul3A_113 = arith.constant 24 : i32
        %mul3A_114 = vector.broadcast %mul3A_113 : i32 to vector<16xi32>
        %mul3A_115 = arith.muli %get3A_112, %mul3A_114 : vector<16xi32>
        %add3A_116 = arith.constant 0 : i32
        %add3A_117 = vector.broadcast %add3A_116 : i32 to vector<16xi32>
        %add3A_118 = arith.addi %mul3A_115, %add3A_117 : vector<16xi32>
        %gather3A = tpu.vector_load_idx %arg6[%add3A_118] : memref<576xf32, #tpu.memory_space<vmem>>[vector<16xi32>], vector<16xf32>,
        %mul3A_119 = arith.constant 16 : i32
        %mul3A_120 = arith.muli %scan3A_105, %mul3A_119 : i32
        %get3A_121 = arith.constant 0 : i32
        %get3A_122 = arith.index_cast %get3A_121 : i32 to index
        %get3A_123 = arith.index_cast %mul3A_120 : i32 to index
        %get3A_124 = tpu.vector_load %arg10[%get3A_122, %get3A_123] {strides = array<i32>} : memref<24x512xf32, #tpu.memory_space<vmem>>, vector<16xf32>,
        %mul3A_125 = arith.mulf %get3A_124, %gather3A : vector<16xf32>
        %add3A_126 = arith.addf %scan3A_106, %mul3A_125 : vector<16xf32>
        %add3A_127 = arith.constant 1 : i32
        %add3A_128 = vector.broadcast %add3A_127 : i32 to vector<16xi32>
        %add3A_129 = arith.addi %mul3A_115, %add3A_128 : vector<16xi32>
        %gather3A_130 = tpu.vector_load_idx %arg6[%add3A_129] : memref<576xf32, #tpu.memory_space<vmem>>[vector<16xi32>], vector<16xf32>,
        %mul3A_131 = arith.constant 16 : i32
        %mul3A_132 = arith.muli %scan3A_105, %mul3A_131 : i32
        %get3A_133 = arith.constant 1 : i32
        %get3A_134 = arith.index_cast %get3A_133 : i32 to index
        %get3A_135 = arith.index_cast %mul3A_132 : i32 to index
        %get3A_136 = tpu.vector_load %arg10[%get3A_134, %get3A_135] {strides = array<i32>} : memref<24x512xf32, #tpu.memory_space<vmem>>, vector<16xf32>,
        %mul3A_137 = arith.mulf %get3A_136, %gather3A_130 : vector<16xf32>
        %add3A_138 = arith.addf %scan3A_107, %mul3A_137 : vector<16xf32>
        %add3A_139 = arith.constant 2 : i32
        %add3A_140 = vector.broadcast %add3A_139 : i32 to vector<16xi32>
        %add3A_141 = arith.addi %mul3A_115, %add3A_140 : vector<16xi32>
        %gather3A_142 = tpu.vector_load_idx %arg6[%add3A_141] : memref<576xf32, #tpu.memory_space<vmem>>[vector<16xi32>], vector<16xf32>,
        %mul3A_143 = arith.constant 16 : i32
        %mul3A_144 = arith.muli %scan3A_105, %mul3A_143 : i32
        %get3A_145 = arith.constant 2 : i32
        %get3A_146 = arith.index_cast %get3A_145 : i32 to index
        %get3A_147 = arith.index_cast %mul3A_144 : i32 to index
        %get3A_148 = tpu.vector_load %arg10[%get3A_146, %get3A_147] {strides = array<i32>} : memref<24x512xf32, #tpu.memory_space<vmem>>, vector<16xf32>,
        %mul3A_149 = arith.mulf %get3A_148, %gather3A_142 : vector<16xf32>
        %add3A_150 = arith.addf %scan3A_108, %mul3A_149 : vector<16xf32>
        %add3A_151 = arith.constant 3 : i32
        %add3A_152 = vector.broadcast %add3A_151 : i32 to vector<16xi32>
        %add3A_153 = arith.addi %mul3A_115, %add3A_152 : vector<16xi32>
        %gather3A_154 = tpu.vector_load_idx %arg6[%add3A_153] : memref<576xf32, #tpu.memory_space<vmem>>[vector<16xi32>], vector<16xf32>,
        %mul3A_155 = arith.constant 16 : i32
        %mul3A_156 = arith.muli %scan3A_105, %mul3A_155 : i32
        %get3A_157 = arith.constant 3 : i32
        %get3A_158 = arith.index_cast %get3A_157 : i32 to index
        %get3A_159 = arith.index_cast %mul3A_156 : i32 to index
        %get3A_160 = tpu.vector_load %arg10[%get3A_158, %get3A_159] {strides = array<i32>} : memref<24x512xf32, #tpu.memory_space<vmem>>, vector<16xf32>,
        %mul3A_161 = arith.mulf %get3A_160, %gather3A_154 : vector<16xf32>
        %add3A_162 = arith.addf %scan3A_109, %mul3A_161 : vector<16xf32>
        %add3A_163 = arith.constant 4 : i32
        %add3A_164 = vector.broadcast %add3A_163 : i32 to vector<16xi32>
        %add3A_165 = arith.addi %mul3A_115, %add3A_164 : vector<16xi32>
        %gather3A_166 = tpu.vector_load_idx %arg6[%add3A_165] : memref<576xf32, #tpu.memory_space<vmem>>[vector<16xi32>], vector<16xf32>,
        %mul3A_167 = arith.constant 16 : i32
        %mul3A_168 = arith.muli %scan3A_105, %mul3A_167 : i32
        %get3A_169 = arith.constant 4 : i32
        %get3A_170 = arith.index_cast %get3A_169 : i32 to index
        %get3A_171 = arith.index_cast %mul3A_168 : i32 to index
        %get3A_172 = tpu.vector_load %arg10[%get3A_170, %get3A_171] {strides = array<i32>} : memref<24x512xf32, #tpu.memory_space<vmem>>, vector<16xf32>,
        %mul3A_173 = arith.mulf %get3A_172, %gather3A_166 : vector<16xf32>
        %add3A_174 = arith.addf %add3A_126, %mul3A_173 : vector<16xf32>
        %add3A_175 = arith.constant 5 : i32
        %add3A_176 = vector.broadcast %add3A_175 : i32 to vector<16xi32>
        %add3A_177 = arith.addi %mul3A_115, %add3A_176 : vector<16xi32>
        %gather3A_178 = tpu.vector_load_idx %arg6[%add3A_177] : memref<576xf32, #tpu.memory_space<vmem>>[vector<16xi32>], vector<16xf32>,
        %mul3A_179 = arith.constant 16 : i32
        %mul3A_180 = arith.muli %scan3A_105, %mul3A_179 : i32
        %get3A_181 = arith.constant 5 : i32
        %get3A_182 = arith.index_cast %get3A_181 : i32 to index
        %get3A_183 = arith.index_cast %mul3A_180 : i32 to index
        %get3A_184 = tpu.vector_load %arg10[%get3A_182, %get3A_183] {strides = array<i32>} : memref<24x512xf32, #tpu.memory_space<vmem>>, vector<16xf32>,
        %mul3A_185 = arith.mulf %get3A_184, %gather3A_178 : vector<16xf32>
        %add3A_186 = arith.addf %add3A_138, %mul3A_185 : vector<16xf32>
        %add3A_187 = arith.constant 6 : i32
        %add3A_188 = vector.broadcast %add3A_187 : i32 to vector<16xi32>
        %add3A_189 = arith.addi %mul3A_115, %add3A_188 : vector<16xi32>
        %gather3A_190 = tpu.vector_load_idx %arg6[%add3A_189] : memref<576xf32, #tpu.memory_space<vmem>>[vector<16xi32>], vector<16xf32>,
        %mul3A_191 = arith.constant 16 : i32
        %mul3A_192 = arith.muli %scan3A_105, %mul3A_191 : i32
        %get3A_193 = arith.constant 6 : i32
        %get3A_194 = arith.index_cast %get3A_193 : i32 to index
        %get3A_195 = arith.index_cast %mul3A_192 : i32 to index
        %get3A_196 = tpu.vector_load %arg10[%get3A_194, %get3A_195] {strides = array<i32>} : memref<24x512xf32, #tpu.memory_space<vmem>>, vector<16xf32>,
        %mul3A_197 = arith.mulf %get3A_196, %gather3A_190 : vector<16xf32>
        %add3A_198 = arith.addf %add3A_150, %mul3A_197 : vector<16xf32>
        %add3A_199 = arith.constant 7 : i32
        %add3A_200 = vector.broadcast %add3A_199 : i32 to vector<16xi32>
        %add3A_201 = arith.addi %mul3A_115, %add3A_200 : vector<16xi32>
        %gather3A_202 = tpu.vector_load_idx %arg6[%add3A_201] : memref<576xf32, #tpu.memory_space<vmem>>[vector<16xi32>], vector<16xf32>,
        %mul3A_203 = arith.constant 16 : i32
        %mul3A_204 = arith.muli %scan3A_105, %mul3A_203 : i32
        %get3A_205 = arith.constant 7 : i32
        %get3A_206 = arith.index_cast %get3A_205 : i32 to index
        %get3A_207 = arith.index_cast %mul3A_204 : i32 to index
        %get3A_208 = tpu.vector_load %arg10[%get3A_206, %get3A_207] {strides = array<i32>} : memref<24x512xf32, #tpu.memory_space<vmem>>, vector<16xf32>,
        %mul3A_209 = arith.mulf %get3A_208, %gather3A_202 : vector<16xf32>
        %add3A_210 = arith.addf %add3A_162, %mul3A_209 : vector<16xf32>
        %add3A_211 = arith.constant 8 : i32
        %add3A_212 = vector.broadcast %add3A_211 : i32 to vector<16xi32>
        %add3A_213 = arith.addi %mul3A_115, %add3A_212 : vector<16xi32>
        %gather3A_214 = tpu.vector_load_idx %arg6[%add3A_213] : memref<576xf32, #tpu.memory_space<vmem>>[vector<16xi32>], vector<16xf32>,
        %mul3A_215 = arith.constant 16 : i32
        %mul3A_216 = arith.muli %scan3A_105, %mul3A_215 : i32
        %get3A_217 = arith.constant 8 : i32
        %get3A_218 = arith.index_cast %get3A_217 : i32 to index
        %get3A_219 = arith.index_cast %mul3A_216 : i32 to index
        %get3A_220 = tpu.vector_load %arg10[%get3A_218, %get3A_219] {strides = array<i32>} : memref<24x512xf32, #tpu.memory_space<vmem>>, vector<16xf32>,
        %mul3A_221 = arith.mulf %get3A_220, %gather3A_214 : vector<16xf32>
        %add3A_222 = arith.addf %add3A_174, %mul3A_221 : vector<16xf32>
        %add3A_223 = arith.constant 9 : i32
        %add3A_224 = vector.broadcast %add3A_223 : i32 to vector<16xi32>
        %add3A_225 = arith.addi %mul3A_115, %add3A_224 : vector<16xi32>
        %gather3A_226 = tpu.vector_load_idx %arg6[%add3A_225] : memref<576xf32, #tpu.memory_space<vmem>>[vector<16xi32>], vector<16xf32>,
        %mul3A_227 = arith.constant 16 : i32
        %mul3A_228 = arith.muli %scan3A_105, %mul3A_227 : i32
        %get3A_229 = arith.constant 9 : i32
        %get3A_230 = arith.index_cast %get3A_229 : i32 to index
        %get3A_231 = arith.index_cast %mul3A_228 : i32 to index
        %get3A_232 = tpu.vector_load %arg10[%get3A_230, %get3A_231] {strides = array<i32>} : memref<24x512xf32, #tpu.memory_space<vmem>>, vector<16xf32>,
        %mul3A_233 = arith.mulf %get3A_232, %gather3A_226 : vector<16xf32>
        %add3A_234 = arith.addf %add3A_186, %mul3A_233 : vector<16xf32>
        %add3A_235 = arith.constant 10 : i32
        %add3A_236 = vector.broadcast %add3A_235 : i32 to vector<16xi32>
        %add3A_237 = arith.addi %mul3A_115, %add3A_236 : vector<16xi32>
        %gather3A_238 = tpu.vector_load_idx %arg6[%add3A_237] : memref<576xf32, #tpu.memory_space<vmem>>[vector<16xi32>], vector<16xf32>,
        %mul3A_239 = arith.constant 16 : i32
        %mul3A_240 = arith.muli %scan3A_105, %mul3A_239 : i32
        %get3A_241 = arith.constant 10 : i32
        %get3A_242 = arith.index_cast %get3A_241 : i32 to index
        %get3A_243 = arith.index_cast %mul3A_240 : i32 to index
        %get3A_244 = tpu.vector_load %arg10[%get3A_242, %get3A_243] {strides = array<i32>} : memref<24x512xf32, #tpu.memory_space<vmem>>, vector<16xf32>,
        %mul3A_245 = arith.mulf %get3A_244, %gather3A_238 : vector<16xf32>
        %add3A_246 = arith.addf %add3A_198, %mul3A_245 : vector<16xf32>
        %add3A_247 = arith.constant 11 : i32
        %add3A_248 = vector.broadcast %add3A_247 : i32 to vector<16xi32>
        %add3A_249 = arith.addi %mul3A_115, %add3A_248 : vector<16xi32>
        %gather3A_250 = tpu.vector_load_idx %arg6[%add3A_249] : memref<576xf32, #tpu.memory_space<vmem>>[vector<16xi32>], vector<16xf32>,
        %mul3A_251 = arith.constant 16 : i32
        %mul3A_252 = arith.muli %scan3A_105, %mul3A_251 : i32
        %get3A_253 = arith.constant 11 : i32
        %get3A_254 = arith.index_cast %get3A_253 : i32 to index
        %get3A_255 = arith.index_cast %mul3A_252 : i32 to index
        %get3A_256 = tpu.vector_load %arg10[%get3A_254, %get3A_255] {strides = array<i32>} : memref<24x512xf32, #tpu.memory_space<vmem>>, vector<16xf32>,
        %mul3A_257 = arith.mulf %get3A_256, %gather3A_250 : vector<16xf32>
        %add3A_258 = arith.addf %add3A_210, %mul3A_257 : vector<16xf32>
        %add3A_259 = arith.constant 12 : i32
        %add3A_260 = vector.broadcast %add3A_259 : i32 to vector<16xi32>
        %add3A_261 = arith.addi %mul3A_115, %add3A_260 : vector<16xi32>
        %gather3A_262 = tpu.vector_load_idx %arg6[%add3A_261] : memref<576xf32, #tpu.memory_space<vmem>>[vector<16xi32>], vector<16xf32>,
        %mul3A_263 = arith.constant 16 : i32
        %mul3A_264 = arith.muli %scan3A_105, %mul3A_263 : i32
        %get3A_265 = arith.constant 12 : i32
        %get3A_266 = arith.index_cast %get3A_265 : i32 to index
        %get3A_267 = arith.index_cast %mul3A_264 : i32 to index
        %get3A_268 = tpu.vector_load %arg10[%get3A_266, %get3A_267] {strides = array<i32>} : memref<24x512xf32, #tpu.memory_space<vmem>>, vector<16xf32>,
        %mul3A_269 = arith.mulf %get3A_268, %gather3A_262 : vector<16xf32>
        %add3A_270 = arith.addf %add3A_222, %mul3A_269 : vector<16xf32>
        %add3A_271 = arith.constant 13 : i32
        %add3A_272 = vector.broadcast %add3A_271 : i32 to vector<16xi32>
        %add3A_273 = arith.addi %mul3A_115, %add3A_272 : vector<16xi32>
        %gather3A_274 = tpu.vector_load_idx %arg6[%add3A_273] : memref<576xf32, #tpu.memory_space<vmem>>[vector<16xi32>], vector<16xf32>,
        %mul3A_275 = arith.constant 16 : i32
        %mul3A_276 = arith.muli %scan3A_105, %mul3A_275 : i32
        %get3A_277 = arith.constant 13 : i32
        %get3A_278 = arith.index_cast %get3A_277 : i32 to index
        %get3A_279 = arith.index_cast %mul3A_276 : i32 to index
        %get3A_280 = tpu.vector_load %arg10[%get3A_278, %get3A_279] {strides = array<i32>} : memref<24x512xf32, #tpu.memory_space<vmem>>, vector<16xf32>,
        %mul3A_281 = arith.mulf %get3A_280, %gather3A_274 : vector<16xf32>
        %add3A_282 = arith.addf %add3A_234, %mul3A_281 : vector<16xf32>
        %add3A_283 = arith.constant 14 : i32
        %add3A_284 = vector.broadcast %add3A_283 : i32 to vector<16xi32>
        %add3A_285 = arith.addi %mul3A_115, %add3A_284 : vector<16xi32>
        %gather3A_286 = tpu.vector_load_idx %arg6[%add3A_285] : memref<576xf32, #tpu.memory_space<vmem>>[vector<16xi32>], vector<16xf32>,
        %mul3A_287 = arith.constant 16 : i32
        %mul3A_288 = arith.muli %scan3A_105, %mul3A_287 : i32
        %get3A_289 = arith.constant 14 : i32
        %get3A_290 = arith.index_cast %get3A_289 : i32 to index
        %get3A_291 = arith.index_cast %mul3A_288 : i32 to index
        %get3A_292 = tpu.vector_load %arg10[%get3A_290, %get3A_291] {strides = array<i32>} : memref<24x512xf32, #tpu.memory_space<vmem>>, vector<16xf32>,
        %mul3A_293 = arith.mulf %get3A_292, %gather3A_286 : vector<16xf32>
        %add3A_294 = arith.addf %add3A_246, %mul3A_293 : vector<16xf32>
        %add3A_295 = arith.constant 15 : i32
        %add3A_296 = vector.broadcast %add3A_295 : i32 to vector<16xi32>
        %add3A_297 = arith.addi %mul3A_115, %add3A_296 : vector<16xi32>
        %gather3A_298 = tpu.vector_load_idx %arg6[%add3A_297] : memref<576xf32, #tpu.memory_space<vmem>>[vector<16xi32>], vector<16xf32>,
        %mul3A_299 = arith.constant 16 : i32
        %mul3A_300 = arith.muli %scan3A_105, %mul3A_299 : i32
        %get3A_301 = arith.constant 15 : i32
        %get3A_302 = arith.index_cast %get3A_301 : i32 to index
        %get3A_303 = arith.index_cast %mul3A_300 : i32 to index
        %get3A_304 = tpu.vector_load %arg10[%get3A_302, %get3A_303] {strides = array<i32>} : memref<24x512xf32, #tpu.memory_space<vmem>>, vector<16xf32>,
        %mul3A_305 = arith.mulf %get3A_304, %gather3A_298 : vector<16xf32>
        %add3A_306 = arith.addf %add3A_258, %mul3A_305 : vector<16xf32>
        %add3A_307 = arith.constant 16 : i32
        %add3A_308 = vector.broadcast %add3A_307 : i32 to vector<16xi32>
        %add3A_309 = arith.addi %mul3A_115, %add3A_308 : vector<16xi32>
        %gather3A_310 = tpu.vector_load_idx %arg6[%add3A_309] : memref<576xf32, #tpu.memory_space<vmem>>[vector<16xi32>], vector<16xf32>,
        %mul3A_311 = arith.constant 16 : i32
        %mul3A_312 = arith.muli %scan3A_105, %mul3A_311 : i32
        %get3A_313 = arith.constant 16 : i32
        %get3A_314 = arith.index_cast %get3A_313 : i32 to index
        %get3A_315 = arith.index_cast %mul3A_312 : i32 to index
        %get3A_316 = tpu.vector_load %arg10[%get3A_314, %get3A_315] {strides = array<i32>} : memref<24x512xf32, #tpu.memory_space<vmem>>, vector<16xf32>,
        %mul3A_317 = arith.mulf %get3A_316, %gather3A_310 : vector<16xf32>
        %add3A_318 = arith.addf %add3A_270, %mul3A_317 : vector<16xf32>
        %add3A_319 = arith.constant 17 : i32
        %add3A_320 = vector.broadcast %add3A_319 : i32 to vector<16xi32>
        %add3A_321 = arith.addi %mul3A_115, %add3A_320 : vector<16xi32>
        %gather3A_322 = tpu.vector_load_idx %arg6[%add3A_321] : memref<576xf32, #tpu.memory_space<vmem>>[vector<16xi32>], vector<16xf32>,
        %mul3A_323 = arith.constant 16 : i32
        %mul3A_324 = arith.muli %scan3A_105, %mul3A_323 : i32
        %get3A_325 = arith.constant 17 : i32
        %get3A_326 = arith.index_cast %get3A_325 : i32 to index
        %get3A_327 = arith.index_cast %mul3A_324 : i32 to index
        %get3A_328 = tpu.vector_load %arg10[%get3A_326, %get3A_327] {strides = array<i32>} : memref<24x512xf32, #tpu.memory_space<vmem>>, vector<16xf32>,
        %mul3A_329 = arith.mulf %get3A_328, %gather3A_322 : vector<16xf32>
        %add3A_330 = arith.addf %add3A_282, %mul3A_329 : vector<16xf32>
        %add3A_331 = arith.constant 18 : i32
        %add3A_332 = vector.broadcast %add3A_331 : i32 to vector<16xi32>
        %add3A_333 = arith.addi %mul3A_115, %add3A_332 : vector<16xi32>
        %gather3A_334 = tpu.vector_load_idx %arg6[%add3A_333] : memref<576xf32, #tpu.memory_space<vmem>>[vector<16xi32>], vector<16xf32>,
        %mul3A_335 = arith.constant 16 : i32
        %mul3A_336 = arith.muli %scan3A_105, %mul3A_335 : i32
        %get3A_337 = arith.constant 18 : i32
        %get3A_338 = arith.index_cast %get3A_337 : i32 to index
        %get3A_339 = arith.index_cast %mul3A_336 : i32 to index
        %get3A_340 = tpu.vector_load %arg10[%get3A_338, %get3A_339] {strides = array<i32>} : memref<24x512xf32, #tpu.memory_space<vmem>>, vector<16xf32>,
        %mul3A_341 = arith.mulf %get3A_340, %gather3A_334 : vector<16xf32>
        %add3A_342 = arith.addf %add3A_294, %mul3A_341 : vector<16xf32>
        %add3A_343 = arith.constant 19 : i32
        %add3A_344 = vector.broadcast %add3A_343 : i32 to vector<16xi32>
        %add3A_345 = arith.addi %mul3A_115, %add3A_344 : vector<16xi32>
        %gather3A_346 = tpu.vector_load_idx %arg6[%add3A_345] : memref<576xf32, #tpu.memory_space<vmem>>[vector<16xi32>], vector<16xf32>,
        %mul3A_347 = arith.constant 16 : i32
        %mul3A_348 = arith.muli %scan3A_105, %mul3A_347 : i32
        %get3A_349 = arith.constant 19 : i32
        %get3A_350 = arith.index_cast %get3A_349 : i32 to index
        %get3A_351 = arith.index_cast %mul3A_348 : i32 to index
        %get3A_352 = tpu.vector_load %arg10[%get3A_350, %get3A_351] {strides = array<i32>} : memref<24x512xf32, #tpu.memory_space<vmem>>, vector<16xf32>,
        %mul3A_353 = arith.mulf %get3A_352, %gather3A_346 : vector<16xf32>
        %add3A_354 = arith.addf %add3A_306, %mul3A_353 : vector<16xf32>
        %add3A_355 = arith.constant 20 : i32
        %add3A_356 = vector.broadcast %add3A_355 : i32 to vector<16xi32>
        %add3A_357 = arith.addi %mul3A_115, %add3A_356 : vector<16xi32>
        %gather3A_358 = tpu.vector_load_idx %arg6[%add3A_357] : memref<576xf32, #tpu.memory_space<vmem>>[vector<16xi32>], vector<16xf32>,
        %mul3A_359 = arith.constant 16 : i32
        %mul3A_360 = arith.muli %scan3A_105, %mul3A_359 : i32
        %get3A_361 = arith.constant 20 : i32
        %get3A_362 = arith.index_cast %get3A_361 : i32 to index
        %get3A_363 = arith.index_cast %mul3A_360 : i32 to index
        %get3A_364 = tpu.vector_load %arg10[%get3A_362, %get3A_363] {strides = array<i32>} : memref<24x512xf32, #tpu.memory_space<vmem>>, vector<16xf32>,
        %mul3A_365 = arith.mulf %get3A_364, %gather3A_358 : vector<16xf32>
        %add3A_366 = arith.addf %add3A_318, %mul3A_365 : vector<16xf32>
        %add3A_367 = arith.constant 21 : i32
        %add3A_368 = vector.broadcast %add3A_367 : i32 to vector<16xi32>
        %add3A_369 = arith.addi %mul3A_115, %add3A_368 : vector<16xi32>
        %gather3A_370 = tpu.vector_load_idx %arg6[%add3A_369] : memref<576xf32, #tpu.memory_space<vmem>>[vector<16xi32>], vector<16xf32>,
        %mul3A_371 = arith.constant 16 : i32
        %mul3A_372 = arith.muli %scan3A_105, %mul3A_371 : i32
        %get3A_373 = arith.constant 21 : i32
        %get3A_374 = arith.index_cast %get3A_373 : i32 to index
        %get3A_375 = arith.index_cast %mul3A_372 : i32 to index
        %get3A_376 = tpu.vector_load %arg10[%get3A_374, %get3A_375] {strides = array<i32>} : memref<24x512xf32, #tpu.memory_space<vmem>>, vector<16xf32>,
        %mul3A_377 = arith.mulf %get3A_376, %gather3A_370 : vector<16xf32>
        %add3A_378 = arith.addf %add3A_330, %mul3A_377 : vector<16xf32>
        %add3A_379 = arith.constant 22 : i32
        %add3A_380 = vector.broadcast %add3A_379 : i32 to vector<16xi32>
        %add3A_381 = arith.addi %mul3A_115, %add3A_380 : vector<16xi32>
        %gather3A_382 = tpu.vector_load_idx %arg6[%add3A_381] : memref<576xf32, #tpu.memory_space<vmem>>[vector<16xi32>], vector<16xf32>,
        %mul3A_383 = arith.constant 16 : i32
        %mul3A_384 = arith.muli %scan3A_105, %mul3A_383 : i32
        %get3A_385 = arith.constant 22 : i32
        %get3A_386 = arith.index_cast %get3A_385 : i32 to index
        %get3A_387 = arith.index_cast %mul3A_384 : i32 to index
        %get3A_388 = tpu.vector_load %arg10[%get3A_386, %get3A_387] {strides = array<i32>} : memref<24x512xf32, #tpu.memory_space<vmem>>, vector<16xf32>,
        %mul3A_389 = arith.mulf %get3A_388, %gather3A_382 : vector<16xf32>
        %add3A_390 = arith.addf %add3A_342, %mul3A_389 : vector<16xf32>
        %add3A_391 = arith.constant 23 : i32
        %add3A_392 = vector.broadcast %add3A_391 : i32 to vector<16xi32>
        %add3A_393 = arith.addi %mul3A_115, %add3A_392 : vector<16xi32>
        %gather3A_394 = tpu.vector_load_idx %arg6[%add3A_393] : memref<576xf32, #tpu.memory_space<vmem>>[vector<16xi32>], vector<16xf32>,
        %mul3A_395 = arith.constant 16 : i32
        %mul3A_396 = arith.muli %scan3A_105, %mul3A_395 : i32
        %get3A_397 = arith.constant 23 : i32
        %get3A_398 = arith.index_cast %get3A_397 : i32 to index
        %get3A_399 = arith.index_cast %mul3A_396 : i32 to index
        %get3A_400 = tpu.vector_load %arg10[%get3A_398, %get3A_399] {strides = array<i32>} : memref<24x512xf32, #tpu.memory_space<vmem>>, vector<16xf32>,
        %mul3A_401 = arith.mulf %get3A_400, %gather3A_394 : vector<16xf32>
        %add3A_402 = arith.addf %add3A_354, %mul3A_401 : vector<16xf32>
        scf.yield %add3A_366, %add3A_378, %add3A_390, %add3A_402 : vector<16xf32>, vector<16xf32>, vector<16xf32>, vector<16xf32>
      }
      %scan3A_97 = arith.constant 32 : i32
      %add3A_98 = arith.constant 2 : i32
      %add3A_99 = arith.addi %add3A_75, %add3A_98 : i32
      %lt3A_100 = arith.constant 100 : i32
      %lt3A_101 = arith.cmpi slt, %add3A_99, %lt3A_100 : i32
      %convert_element_type3A_102 = arith.extui %lt3A_101 : i1 to i32
      %cond3A_103 = arith.constant 0 : i32
      %cond3A_104 = arith.cmpi ne, %convert_element_type3A_102, %cond3A_103 : i32
      scf.if %cond3A_104 {
        %add3A_105 = arith.constant 2 : i32
        %add3A_106 = arith.addi %add3A_75, %add3A_105 : i32
        %add3A_107 = arith.addi %mul3A_4, %add3A_106 : i32
        %dma_start3A_108 = tpu.memref_slice %arg3[%add3A_107, %mul3A_2] : memref<200x16384xi32, #tpu.memory_space<hbm>> -> memref<1x512xi32, #tpu.memory_space<hbm>>
        %dma_start3A_109 = tpu.memref_squeeze %dma_start3A_108 : memref<1x512xi32, #tpu.memory_space<hbm>> -> memref<512xi32, #tpu.memory_space<hbm>>
        %dma_start3A_110 = tpu.memref_slice %arg3[%add3A_107, %mul3A_2] : memref<200x16384xi32, #tpu.memory_space<hbm>> -> memref<1x512xi32, #tpu.memory_space<hbm>>
        %dma_start3A_111 = tpu.memref_squeeze %dma_start3A_110 : memref<1x512xi32, #tpu.memory_space<hbm>> -> memref<512xi32, #tpu.memory_space<hbm>>
        tpu.enqueue_dma source(%dma_start3A_111 : memref<512xi32, #tpu.memory_space<hbm>>) target(%arg8 : memref<512xi32, #tpu.memory_space<vmem>>) target_semaphore(%arg13 : memref<!tpu.dma_semaphore, #tpu.memory_space<semaphore_mem>>)
        %dma_start3A_112 = arith.constant 0 : i32
        %dma_start3A_113 = tpu.memref_slice %arg2[%add3A_107, %dma_start3A_112, %mul3A_2] : memref<200x24x16384xf32, #tpu.memory_space<hbm>> -> memref<1x24x512xf32, #tpu.memory_space<hbm>>
        %dma_start3A_114 = tpu.memref_squeeze %dma_start3A_113 : memref<1x24x512xf32, #tpu.memory_space<hbm>> -> memref<24x512xf32, #tpu.memory_space<hbm>>
        %dma_start3A_115 = arith.constant 0 : i32
        %dma_start3A_116 = tpu.memref_slice %arg2[%add3A_107, %dma_start3A_115, %mul3A_2] : memref<200x24x16384xf32, #tpu.memory_space<hbm>> -> memref<1x24x512xf32, #tpu.memory_space<hbm>>
        %dma_start3A_117 = tpu.memref_squeeze %dma_start3A_116 : memref<1x24x512xf32, #tpu.memory_space<hbm>> -> memref<24x512xf32, #tpu.memory_space<hbm>>
        tpu.enqueue_dma source(%dma_start3A_117 : memref<24x512xf32, #tpu.memory_space<hbm>>) target(%arg10 : memref<24x512xf32, #tpu.memory_space<vmem>>) target_semaphore(%arg13 : memref<!tpu.dma_semaphore, #tpu.memory_space<semaphore_mem>>)
      } else {
      }
      scf.yield %scan3A_96#0, %scan3A_96#1, %scan3A_96#2, %scan3A_96#3 : vector<16xf32>, vector<16xf32>, vector<16xf32>, vector<16xf32>
    }
    %scan3A_33 = arith.constant 50 : i32
    %add3A_34 = arith.addf %scan3A_32#0, %scan3A_32#1 : vector<16xf32>
    %add3A_35 = arith.addf %add3A_34, %scan3A_32#2 : vector<16xf32>
    %add3A_36 = arith.addf %add3A_35, %scan3A_32#3 : vector<16xf32>
    %swap3A = arith.constant 0 : index
    %swap3A_37 = tpu.vector_load %arg11[%swap3A] {strides = array<i32>} : memref<16xf32, #tpu.memory_space<vmem>>, vector<16xf32>,
    tpu.vector_store %arg11[%swap3A], %add3A_36 {strides = array<i32>} : memref<16xf32, #tpu.memory_space<vmem>>, vector<16xf32>,
    "tpu.region"() ({
      %run_scoped3A = tpu.sem_alloc : memref<!tpu.dma_semaphore, #tpu.memory_space<semaphore_mem>>
      %dma_start3A_38 = arith.constant 0 : i32
      %dma_start3A_39 = tpu.memref_slice %arg5[%add3A, %dma_start3A_38] : memref<32x16xf32, #tpu.memory_space<hbm>> -> memref<1x16xf32, #tpu.memory_space<hbm>>
      %dma_start3A_40 = tpu.memref_squeeze %dma_start3A_39 : memref<1x16xf32, #tpu.memory_space<hbm>> -> memref<16xf32, #tpu.memory_space<hbm>>
      %dma_start3A_41 = arith.constant 0 : i32
      %dma_start3A_42 = tpu.memref_slice %arg5[%add3A, %dma_start3A_41] : memref<32x16xf32, #tpu.memory_space<hbm>> -> memref<1x16xf32, #tpu.memory_space<hbm>>
      %dma_start3A_43 = tpu.memref_squeeze %dma_start3A_42 : memref<1x16xf32, #tpu.memory_space<hbm>> -> memref<16xf32, #tpu.memory_space<hbm>>
      tpu.enqueue_dma source(%arg11 : memref<16xf32, #tpu.memory_space<vmem>>) target(%dma_start3A_43 : memref<16xf32, #tpu.memory_space<hbm>>) target_semaphore(%run_scoped3A : memref<!tpu.dma_semaphore, #tpu.memory_space<semaphore_mem>>)
      %dma_wait3A = arith.constant 0 : i32
      %dma_wait3A_44 = tpu.memref_slice %arg5[%add3A, %dma_wait3A] : memref<32x16xf32, #tpu.memory_space<hbm>> -> memref<1x16xf32, #tpu.memory_space<hbm>>
      %dma_wait3A_45 = tpu.memref_squeeze %dma_wait3A_44 : memref<1x16xf32, #tpu.memory_space<hbm>> -> memref<16xf32, #tpu.memory_space<hbm>>
      %dma_wait3A_46 = arith.constant 0 : i32
      %dma_wait3A_47 = tpu.memref_slice %arg5[%add3A, %dma_wait3A_46] : memref<32x16xf32, #tpu.memory_space<hbm>> -> memref<1x16xf32, #tpu.memory_space<hbm>>
      %dma_wait3A_48 = tpu.memref_squeeze %dma_wait3A_47 : memref<1x16xf32, #tpu.memory_space<hbm>> -> memref<16xf32, #tpu.memory_space<hbm>>
      tpu.wait_dma2 semaphore(%run_scoped3A : memref<!tpu.dma_semaphore, #tpu.memory_space<semaphore_mem>>) src(%arg11 : memref<16xf32, #tpu.memory_space<vmem>>) dst(%dma_wait3A_48 : memref<16xf32, #tpu.memory_space<hbm>>)
      tpu.yield
    }) : () -> ()
    return
  }
}

module attributes {stable_mosaic.version = 14 : i64} {
  func.func @_tc_body(%arg0: i32, %arg1: memref<1x1x8192xi32, #tpu.memory_space<vmem>>, %arg2: memref<1x24x8192xf32, #tpu.memory_space<vmem>>, %arg3: memref<24x24xf32, #tpu.memory_space<vmem>>, %arg4: memref<24x8192xf32, #tpu.memory_space<vmem>>) attributes {dimension_semantics = [#tpu.dimension_semantics<arbitrary>], iteration_bounds = array<i64: 200>, scalar_prefetch = 0 : i64, scratch_operands = 0 : i64, tpu.core_type = #tpu.core_type<tc>, window_params = [{transform_indices = @transform_0, window_bounds = array<i64: 1, 1, 8192>}, {transform_indices = @transform_1, window_bounds = array<i64: 1, 24, 8192>}, {pipeline_mode = #tpu.pipeline_mode<synchronous>, transform_indices = @transform_2, window_bounds = array<i64: 24, 24>}, {pipeline_mode = #tpu.pipeline_mode<synchronous>, transform_indices = @transform_3, window_bounds = array<i64: 24, 8192>}]} {
    %eq3A = arith.constant 0 : i32
    %eq3A_0 = arith.cmpi eq, %arg0, %eq3A : i32
    %convert_element_type3A = arith.extui %eq3A_0 : i1 to i32
    %cond3A = arith.constant 0 : i32
    %cond3A_1 = arith.cmpi ne, %convert_element_type3A, %cond3A : i32
    scf.if %cond3A_1 {
      %broadcast_in_dim3A = arith.constant 0.000000e+00 : f32
      %broadcast_in_dim3A_24 = vector.broadcast %broadcast_in_dim3A : f32 to vector<24x8192xf32>
      %swap3A_25 = arith.constant 0 : index
      %swap3A_26 = arith.constant 0 : index
      %swap3A_27 = vector.load %arg4[%swap3A_25, %swap3A_26] : memref<24x8192xf32, #tpu.memory_space<vmem>>, vector<24x8192xf32>
      tpu.vector_store %arg4[%swap3A_25, %swap3A_26], %broadcast_in_dim3A_24 {strides = array<i32>} : memref<24x8192xf32, #tpu.memory_space<vmem>>, vector<24x8192xf32>,
    } else {
    }
    %get3A = arith.constant 0 : index
    %get3A_2 = arith.constant 0 : index
    %get3A_3 = arith.constant 0 : index
    %get3A_4 = vector.load %arg1[%get3A, %get3A_2, %get3A_3] : memref<1x1x8192xi32, #tpu.memory_space<vmem>>, vector<1x1x8192xi32>
    %get3A_5 = vector.shape_cast %get3A_4 : vector<1x1x8192xi32> to vector<1x8192xi32>
    %iota3A = tpu.iota {dimensions = array<i32: 0>} : vector<24x8192xi32>
    %eq3A_6 = vector.broadcast %get3A_5 : vector<1x8192xi32> to vector<24x8192xi32>
    %eq3A_7 = arith.cmpi eq, %eq3A_6, %iota3A : vector<24x8192xi32>
    %convert_element_type3A_8 = arith.extui %eq3A_7 : vector<24x8192xi1> to vector<24x8192xi32>
    %convert_element_type3A_9 = arith.sitofp %convert_element_type3A_8 : vector<24x8192xi32> to vector<24x8192xf32>
    %get3A_10 = arith.constant 0 : index
    %get3A_11 = arith.constant 0 : index
    %get3A_12 = vector.load %arg3[%get3A_10, %get3A_11] : memref<24x24xf32, #tpu.memory_space<vmem>>, vector<24x24xf32>
    %dot_general3A = arith.constant dense<0.000000e+00> : vector<24x8192xf32>
    %dot_general3A_13 = tpu.matmul %get3A_12, %convert_element_type3A_9, %dot_general3A {dimension_numbers = #tpu.dot_dimension_numbers<[1], [0], [0], [1], [0, 0, 1, 1], [], []>, transpose_lhs_hint = false} : vector<24x24xf32>, vector<24x8192xf32>, vector<24x8192xf32> -> vector<24x8192xf32>
    %get3A_14 = arith.constant 0 : index
    %get3A_15 = arith.constant 0 : index
    %get3A_16 = vector.load %arg4[%get3A_14, %get3A_15] : memref<24x8192xf32, #tpu.memory_space<vmem>>, vector<24x8192xf32>
    %get3A_17 = arith.constant 0 : index
    %get3A_18 = arith.constant 0 : index
    %get3A_19 = arith.constant 0 : index
    %get3A_20 = vector.load %arg2[%get3A_17, %get3A_18, %get3A_19] : memref<1x24x8192xf32, #tpu.memory_space<vmem>>, vector<1x24x8192xf32>
    %get3A_21 = vector.shape_cast %get3A_20 : vector<1x24x8192xf32> to vector<24x8192xf32>
    %mul3A = arith.mulf %dot_general3A_13, %get3A_21 : vector<24x8192xf32>
    %add3A = arith.addf %get3A_16, %mul3A : vector<24x8192xf32>
    %swap3A = arith.constant 0 : index
    %swap3A_22 = arith.constant 0 : index
    %swap3A_23 = vector.load %arg4[%swap3A, %swap3A_22] : memref<24x8192xf32, #tpu.memory_space<vmem>>, vector<24x8192xf32>
    tpu.vector_store %arg4[%swap3A, %swap3A_22], %add3A {strides = array<i32>} : memref<24x8192xf32, #tpu.memory_space<vmem>>, vector<24x8192xf32>,
    return
  }
  func.func @transform_0(%arg0: i32) -> (i32, i32, i32) {
    %c0_i32 = arith.constant 0 : i32
    %c1_i32 = arith.constant 1 : i32
    %c0_i32_0 = arith.constant 0 : i32
    return %arg0, %c0_i32, %c1_i32 : i32, i32, i32
  }
  func.func @transform_1(%arg0: i32) -> (i32, i32, i32) {
    %c0_i32 = arith.constant 0 : i32
    %c1_i32 = arith.constant 1 : i32
    %c0_i32_0 = arith.constant 0 : i32
    return %arg0, %c0_i32, %c1_i32 : i32, i32, i32
  }
  func.func @transform_2(%arg0: i32) -> (i32, i32) {
    %c0_i32 = arith.constant 0 : i32
    %c0_i32_0 = arith.constant 0 : i32
    %c0_i32_1 = arith.constant 0 : i32
    return %c0_i32, %c0_i32_0 : i32, i32
  }
  func.func @transform_3(%arg0: i32) -> (i32, i32) {
    %c0_i32 = arith.constant 0 : i32
    %c0_i32_0 = arith.constant 0 : i32
    %c0_i32_1 = arith.constant 0 : i32
    return %c0_i32, %c0_i32_0 : i32, i32
  }
}

</mosaic_0001>

<sc_bundles>
// kernel: kernel.4.cloned.1.call-start
scs
__scs_entry_jumppad:
0x0: {  	(pc) =	sbr.rel $0x88, $3  }
0x1: {  	(tag) =	ssettag $0x0;
	lr =	simm.s32 $0x1  }
0x2: {  	[smem:$0x3F9E] =	sst lr;
	_ =	strace $0xD0000000  }
0x3: {  	_ = 	snop  }
0x4: {  	_ = 	snop  }
0x5: {  	_ = 	snop  }
0x6: {  	_ = 	snop  }
0x7: {  	_ = 	snop  }
__scs_overlays_trampoline_lowered:
0x8: {  	[smem:$0x3FAD] =	sst s0  }
0x9: {  	[smem:$0x3FAE] =	sst s1  }
0xa: {  	[smem:$0x3FAF] =	sst s2  }
0xb: {  	[smem:$0x3FB0] =	sst s3  }
0xc: {  	[smem:$0x3FB1] =	sst s4  }
0xd: {  	[smem:$0x3FB2] =	sst s5  }
0xe: {  	[smem:$0x3FB3] =	sst s6  }
0xf: {  	[smem:$0x3FB4] =	sst s7  }
0x10: {  	[smem:$0x3FB5] =	sst s8  }
0x11: {  	[smem:$0x3FB6] =	sst s9;
	s0 =	simm.s32 @!p0 $0x0  }
0x12: {  	s1 =	sld [smem:$0x3F9C];
	s0 =	simm.s32 @p0 $0x1  }
0x13: {  	[smem:$0x3FB7] =	sst s0;
	s0 =	simm.s32 @!p1 $0x0  }
0x14: {  	s2 =	sld [smem:$0x3F9B];
	s0 =	simm.s32 @p1 $0x1  }
0x15: {  	[smem:$0x3FB8] =	sst s0;
	s0 =	simm.s32 @!p2 $0x0  }
0x16: {  	s3 =	sld [smem:$0x3FDB];
	s0 =	simm.s32 @p2 $0x1  }
0x17: {  	s4 =	simm.s32 $0x1BF5;
	[smem:$0x3FBA] =	sst s0  }
0x18: {  	s0 =	sld [smem:$0x3F9D];
	_ =	swait.ge [sflag:s4], $0x0  }
0x19: {  	s7 =	sld [smem:$0x3F9E]  }
0x1a: {  	s8 =	sadd.s32 $0xFFFFE003, lr  }
0x1b: {  	s9 =	sadd.s32 $0xFFFFFEF7, lr;
	s5 =	simm.s32 $0xFFFFFFFF;
	p2 =	slt.u32 s8, $0xFFFFF086  }
0x1c: {  	p1 =	slt.u32 s9, $0xF7A;
	s5 =	simm.s32 @!p2 $0x0  }
0x1d: {  	s5 =	simm.s32 @p1 $0x1;
	p0 =	seq.s32 s7, s2  }
0x1e: {  	s7 =	smul.u32 @!p0 $0xF7A, s2;
	p2 =	seq.s32 @!p0 s5, $0x0  }
0x1f: {  	s9 =	smul.u32 $0xF7A, s1;
	s8 =	simm.s32 @!p0 $0x1BF5;
	p2 =	por !p2, p0  }
0x20: {  	[sflag:s8] =	ssyncset.s32 @!p0 $0xFFFFF086;
	s6 =	sadd.s32 @!p0 s3, s7;
	s7 =	simm.s32 @!p0 $0x108  }
0x21: {  	s3 =	sadd.s32 s3, s9;
	s6 =	sadd.s32 @!p0 $0x88, s6;
	s7 =	simm.s32 @p2 $0x1082  }
0x22: {  	[simem:s7], [sflag:s8] =	dma.local @!p0 [hbm:s6], $0xF7A  }
0x23: {  	s9 =	sor.u32 $0xD0000000, s2;
	s6 =	simm.s32 $0x108;
	_ =	swait.ge @!p0 [sflag:s8], $0x0  }
0x24: {  	s3 =	sadd.s32 $0x88, s3;
	s6 =	simm.s32 @!p1 $0x1082;
	[sflag:s4] =	ssyncset.s32 $0xFFFFF086  }
0x25: {  	[simem:s6], [sflag:s4] =	dma.local [hbm:s3], $0xF7A  }
0x26: {  	[smem:$0x3F9E] =	sst s1;
	(tag) =	ssettag s2;
	_ =	strace s9  }
0x27: {  	s1 =	sld [smem:$0x3FAE]  }
0x28: {  	s2 =	sld [smem:$0x3FAF]  }
0x29: {  	s4 =	sld [smem:$0x3FB1]  }
0x2a: {  	p0 =	seq.s32 s5, $0x0;
	s5 =	sld [smem:$0x3FB2]  }
0x2b: {  	s6 =	sld [smem:$0x3FB3]  }
0x2c: {  	s7 =	sld [smem:$0x3FB4]  }
0x2d: {  	s3 =	simm.s32 $0x108;
	s8 =	sld [smem:$0x3FB5]  }
0x2e: {  	s3 =	simm.s32 @!p0 $0x1082;
	s9 =	sld [smem:$0x3FB6]  }
0x2f: {  	lr =	sadd.s32 s0, s3;
	s0 =	sld [smem:$0x3FAD]  }
0x30: {  	s3 =	sld [smem:$0x3FB0]  }
0x31: {  	[smem:$0x3FB9] =	sst s10  }
0x32: {  	s10 =	sld [smem:$0x3FB7];
	_ =	sdelay $0x3  }
0x33: {  	p0 =	seq.s32 s10, $0x1;
	s10 =	sld [smem:$0x3FB9];
	_ =	sdelay $0x3  }
0x34: {  	[smem:$0x3FB9] =	sst s10  }
0x35: {  	s10 =	sld [smem:$0x3FB8];
	_ =	sdelay $0x3  }
0x36: {  	p1 =	seq.s32 s10, $0x1;
	s10 =	sld [smem:$0x3FB9];
	_ =	sdelay $0x3  }
0x37: {  	[smem:$0x3FB9] =	sst s10  }
0x38: {  	s10 =	sld [smem:$0x3FBA]  }
0x39: {  	_ = 	snop;
	(pc) =	sbr.ind lr, $3  }
0x3a: {  	_ = 	snop  }
0x3b: {  	_ = 	snop  }
0x3c: {  	p2 =	seq.s32 s10, $0x1;
	s10 =	sld [smem:$0x3FB9]  }
0x3d: {  	_ =	shalt  }
0x3e: {  	_ =	shalt  }
0x3f: {  	_ =	shalt  }
0x40: {  	_ =	shalt  }
0x41: {  	_ =	shalt  }
0x42: {  	_ =	shalt  }
0x43: {  	_ =	shalt  }
0x44: {  	_ =	shalt  }
0x45: {  	_ =	shalt  }
0x46: {  	_ =	shalt  }
0x47: {  	_ =	shalt  }
0x48: {  	_ =	shalt  }
0x49: {  	_ =	shalt  }
0x4a: {  	_ =	shalt  }
0x4b: {  	_ =	shalt  }
0x4c: {  	_ =	shalt  }
0x4d: {  	_ =	shalt  }
0x4e: {  	_ =	shalt  }
0x4f: {  	_ =	shalt  }
0x50: {  	_ =	shalt  }
0x51: {  	_ =	shalt  }
0x52: {  	_ =	shalt  }
0x53: {  	_ =	shalt  }
0x54: {  	_ =	shalt  }
0x55: {  	_ =	shalt  }
0x56: {  	_ =	shalt  }
0x57: {  	_ =	shalt  }
0x58: {  	_ =	shalt  }
0x59: {  	_ =	shalt  }
0x5a: {  	_ =	shalt  }
0x5b: {  	_ =	shalt  }
0x5c: {  	_ =	shalt  }
0x5d: {  	_ =	shalt  }
0x5e: {  	_ =	shalt  }
0x5f: {  	_ =	shalt  }
0x60: {  	_ =	shalt  }
0x61: {  	_ =	shalt  }
0x62: {  	_ =	shalt  }
0x63: {  	_ =	shalt  }
0x64: {  	_ =	shalt  }
0x65: {  	_ =	shalt  }
0x66: {  	_ =	shalt  }
0x67: {  	_ =	shalt  }
0x68: {  	_ =	shalt  }
0x69: {  	_ =	shalt  }
0x6a: {  	_ =	shalt  }
0x6b: {  	_ =	shalt  }
0x6c: {  	_ =	shalt  }
0x6d: {  	_ =	shalt  }
0x6e: {  	_ =	shalt  }
0x6f: {  	_ =	shalt  }
0x70: {  	_ =	shalt  }
0x71: {  	_ =	shalt  }
0x72: {  	_ =	shalt  }
0x73: {  	_ =	shalt  }
0x74: {  	_ =	shalt  }
0x75: {  	_ =	shalt  }
0x76: {  	_ =	shalt  }
0x77: {  	_ =	shalt  }
0x78: {  	_ =	shalt  }
0x79: {  	_ =	shalt  }
0x7a: {  	_ =	shalt  }
0x7b: {  	_ =	shalt  }
0x7c: {  	_ =	shalt  }
0x7d: {  	_ =	shalt  }
0x7e: {  	_ =	shalt  }
0x7f: {  	_ =	shalt  }
0x80: {  	_ =	shalt  }
0x81: {  	_ =	shalt  }
0x82: {  	_ =	shalt  }
0x83: {  	_ =	shalt  }
0x84: {  	_ =	shalt  }
0x85: {  	_ =	shalt  }
0x86: {  	_ =	shalt  }
0x87: {  	_ =	shalt  }
.Lfunc_end0:
.L_simem_size_0:
called_computation_lowered:
.L_overlay_start_0:
0x88: {  	s2 =	sld [smem:$0x3FD9]  }
0x89: {  	s3 =	sld [smem:$0x3FFE];
	_ =	sdelay $0x1  }
0x8a: {  	s1 =	srdreg.scid  }
0x8b: {  	s0 =	sand.u32 $0x1, s1  }
0x8c: {  	s17 =	sshll.u32 s0, $0xA;
	s2 =	sadd.s32 s3, s2  }
0x8d: {  	s2 =	sadd.s32 s2, s17  }
0x8e: {  	[smem:$0x3FC5] =	sst s2  }
0x8f: {  	_ = 	snop  }
0x90: {  	s2 =	sld [smem:$0x3FC9]  }
0x91: {  	s18 =	sld [smem:$0x3FC8];
	(tm) =	ssettm $0x1  }
0x92: {  	s4 =	sld [smem:$0x3FFB];
	_ =	sdelay $0x3  }
0x93: {  	_ =	strace s4  }
0x94: {  	s4 =	sld [smem:$0x3FFC];
	_ =	sdelay $0x3  }
0x95: {  	_ =	strace s4  }
0x96: {  	s4 =	sld [smem:$0x3FFD];
	_ =	sdelay $0x3  }
0x97: {  	_ =	strace s4  }
0x98: {  	_ =	strace $0x8FFFFFFF  }
0x99: {  	s19 =	sld [smem:$0x3FDB];
	_ =	sdelay $0x1  }
0x9a: {  	s5 =	simm.s32 $_scs_section_size  }
0x9b: {  	s6 =	simm.s32 $_size__tile_overlayer_lowered;
	s7 =	simm.s32 $_tile_overlayer_lowered  }
0x9c: {  	s22 =	simm.s32 $0x1BFF;
	s21 =	sshll.u32 s7, $0x1;
	s4 =	sadd.s32 s5, s19  }
0x9d: {  	s8 =	simm.s32 $0x0;
	s20 =	sshll.u32 s6, $0x1;
	s6 =	sadd.s32 s21, s4  }
0x9e: {  	[timem:s8], [sflag:s22] =	dma.local [hbm:s6], s20  }
0x9f: {  	_ =	swait.ge [sflag:s22], s20  }
0xa0: {  	s5 =	ssub.s32 $0x0, s20;
	[sflag:s22] =	ssyncset.done $0x0  }
0xa1: {  	[sflag:s22] =	ssyncadd.s32 s5;
	_ =	sdelay $0x1  }
0xa2: {  	s23 =	simm.s32 $0x1B8B  }
0xa3: {  	_ =	swait.ge [sflag:s23], $0x1  }
0xa4: {  	[sflag:s23] =	ssyncset.done $0x0  }
0xa5: {  	s25 =	simm.s32 $0x1B8E;
	s24 =	sld [smem:$0x3FFE];
	[sflag:s23] =	ssyncadd.s32 $0xFFFFFFFF  }
0xa6: {  	s26 =	simm.s32 $execute0_lowered;
	[smem:$0x3FD2] =	sst s25  }
0xa7: {  	s6 =	sshll.u32 s26, $0x1;
	_ =	strace $0x80000046;
	[dreg:$0x1] =	wrdreg $0xFFFFFFFF  }
0xa8: {  	s28 =	simm.s32 $_size_execute0_lowered;
	s4 =	sadd.s32 s4, s6;
	[dreg:$0x0] =	wrdreg $0x0  }
0xa9: {  	s6 =	sshll.u32 s28, $0x1;
	[dreg:$0x2] =	wrdreg s4  }
0xaa: {  	[dreg:$0x3] =	wrdreg s6  }
0xab: {  	[dreg:$0x4] =	wrdreg $0xC0  }
0xac: {  	_ =	task [dreg:s8], $0x5FFFF  }
0xad: {  	[dreg:$0x1] =	wrdreg $0xFFFFFFFF  }
0xae: {  	[dreg:$0x0] =	wrdreg $0x60  }
0xaf: {  	[dreg:$0x2] =	wrdreg s18  }
0xb0: {  	[dreg:$0x3] =	wrdreg s2  }
0xb1: {  	[dreg:$0x4] =	wrdreg s24  }
0xb2: {  	[dreg:$0x5] =	wrdreg $0x9  }
0xb3: {  	_ =	task.clear_ibuf [dreg:s8], $0x6FFFF;
	_ =	strace $0x90000046  }
0xb4: {  	s29 =	simm.s32 $0x9;
	_ =	strace $0x80000048  }
0xb5: {  	_ =	swait.ge [sflag:s29], $0x1  }
0xb6: {  	[sflag:s29] =	ssyncadd.s32 $0xFFFFFFFF  }
0xb7: {  	_ =	strace $0x90000048  }
0xb8: {  	_ =	sfence  }
0xb9: {  	s30 =	sld [smem:$0x0];
	_ =	sdelay $0x2  }
0xba: {  	s31 =	sshll.u32 s1, $0xD;
	s1 =	sshrl.u32 s1, $0x2  }
0xbb: {  	s3 =	sand.u32 $0x4000, s31;
	s1 =	sadd.s32 s1, s30  }
0xbc: {  	s0 =	sor.u32 s3, s0;
	s1 =	sshll.u32 s1, $0x11  }
0xbd: {  	s0 =	sor.u32 s1, s0  }
0xbe: {  	s0 =	sadd.s32 $0x8F2B, s0  }
0xbf: {  	[sflag:s0] =	ssyncadd.remote.s32 $0x1  }
0xc0: {  	_ =	sfence.sel $0xFFFF  }
0xc1: {  	[dreg:$0x0] =	wrdreg $0xFFFFFFFF;
	(pc) =	sbr.abs _section_cstart, $3  }
0xc2: {  	[dreg:$0x1] =	wrdreg $0xFFFFFFFF  }
0xc3: {  	_ =	task.clear_ibuf [dreg:s8], $0x2FFFF;
	_ =	strace $0x9FFFFFFF  }
0xc4: {  	(tm) =	ssettm $0x7FFFFFFF  }
0xc5: {  	_ =	shalt  }
tec
execute0_lowered:
.L_overlay_start_1:
0x0: {  	(tag) =	ssettag $0x1  }
0x1: {  	s1 =	rddreg [dreg:$0x0]  }
0x2: {  	s2 =	rddreg [dreg:$0x1]  }
0x3: {  	s6 =	rddreg [dreg:$0x2];
	s4 =	simm.s32 $0x0  }
0x4: {  	s0 =	srdreg.scid;
	s11 =	stileid.u32;
	s15 =	simm.s32 $0x3  }
0x5: {  	s16 =	simm.s32 $0x80;
	s17 =	simm.s32 $0x400;
	s19 =	simm.s32 $0x1000  }
0x6: {  	s20 =	simm.s32 $0x20000;
	s22 =	simm.s32 $0x480;
	s23 =	simm.s32 $0x3680  }
0x7: {  	s24 =	simm.s32 $0x1;
	s28 =	simm.s32 $0x0;
	s0 =	sand.u32 $0x1, s0  }
0x8: {  	[smem:$0x7FF] =	sst s4;
	s31 =	sshll.u32 s11, $0x5;
	s7 =	smul.u32 $0x190000, s0  }
0x9: {  	_ =	strace $0x80000047;
	s3 =	sshll.u32 s0, $0x4;
	s12 =	smul.u32 $0x64, s0  }
0xa: {  	s5 =	ssub.s32 $0x2, s0;
	s26 =	sshll.u32 s0, $0x9;
	s0 =	smul.u32 $0x2580000, s0  }
0xb: {  	s3 =	sadd.s32 s3, s6;
	s8 =	sshrl.u32 s5, $0x1;
	s6 =	sshll.u32 s11, $0xC  }
0xc: {  	s7 =	sand.u32 $0x1E0000, s7;
	s5 =	ssub.s32 s5, s8;
	s9 =	sor.u32 $0x1, s12  }
0xd: {  	s0 =	sor.u32 s6, s0;
	s11 =	sor.u32 $0x2, s12;
	s12 =	sor.u32 $0x3, s12  }
0xe: {  	s25 =	sor.u32 s6, s7;
	s10 =	sshll.u32 s9, $0x7;
	s9 =	smul.u32 $0x60000, s9  }
0xf: {  	s0 =	sshrl.u32 s0, $0x3;
	s14 =	smax.u32 s5, $0x1;
	s7 =	sor.u32 s26, s25  }
.Ltmp0:
0x10: {  	s10 =	sand.u32 $0x280, s10;
	s8 =	sadd.s32 s1, s0;
	(pc) =	sbr.rel .LBB2_1-.Ltmp0, $4  }
0x11: {  	s0 =	sadd.s32 s31, s3;
	s26 =	simm.s32 $0x6680;
	s7 =	sshrl.u32 s7, $0x3  }
0x12: {  	s10 =	sor.u32 s25, s10;
	s9 =	sor.u32 s6, s9;
	s13 =	sadd.s32 $0x200, s0  }
0x13: {  	s25 =	simm.s32 $0x2;
	s29 =	sshrl.u32 s10, $0x3;
	s30 =	sshrl.u32 s9, $0x3  }
0x14: {  	s7 =	sadd.s32 s2, s7;
	s9 =	sadd.s32 s2, s29;
	s10 =	sadd.s32 s1, s30  }
.LBB2_8:
0x15: {  	v0 =	vadd.f32 v8, v9;
	_ =	sdelay $0x1  }
0x16: {  	v0 =	vadd.f32 v7, v0;
	_ =	sdelay $0x1  }
0x17: {  	s28 =	sadd.s32 $0x1, s28;
	v0 =	vadd.f32 v5, v0  }
0x18: {  	p0 =	sne.s32 s28, s14  }
.Ltmp1:
0x19: {  	[tilespmem:$0x6680] =	vst v0;
	(pc) =	sbr.rel @!p0 .LBB2_9-.Ltmp1, $4  }
0x1a: {  	[hbm4b:s13+s4] =	stream.linear.scatter [tilespmem:s26], [sflag:$0x3], $0x80, $0x38;
	[tilespmem:$0x6700] =	vst v63  }
0x1b: {  	_ =	swait.ge [sflag:s15], $0x80  }
0x1c: {  	[sflag:s15] =	ssyncset.done $0x0  }
0x1d: {  	[sflag:s15] =	ssyncadd.s32 $0xFFFFFF80  }
.LBB2_1:
0x1e: {  	s0 =	rddreg [dreg:$0x2]  }
0x1f: {  	[tilespmem:s4], [sflag:$0x3] =	stream.linear.gather [hbm4b:s0+s4], $0x280, $0x38;
	[tilespmem:$0x6700] =	vst v63  }
0x20: {  	_ =	swait.ge [sflag:s15], $0x280  }
0x21: {  	[sflag:s15] =	ssyncset.done $0x0  }
0x22: {  	s30 =	simm.s32 $0x280;
	[sflag:s15] =	ssyncadd.s32 $0xFFFFFD80  }
0x23: {  	[tilespmem:s30], [sflag:$0x1] =	stream.strided.gather [hbm4b:s7+s16], $0x200, s17, s16, $0x38;
	[tilespmem:$0x6700] =	vst v63  }
0x24: {  	s31 =	simm.s32 $0x680  }
0x25: {  	[tilespmem:s31], [sflag:$0x1] =	stream.strided.gather [hbm4b:s8+s19], $0x3000, s20, s19, $0x38;
	[tilespmem:$0x6700] =	vst v63  }
0x26: {  	_ = 	snop  }
0x27: {  	[tilespmem:s22], [sflag:$0x2] =	stream.strided.gather [hbm4b:s9+s16], $0x200, s17, s16, $0x38;
	[tilespmem:$0x6700] =	vst v63  }
0x28: {  	v5 =	vimm.f32 $0.0e+00;
	s29 =	simm.s32 $0x0  }
0x29: {  	v7 =	vimm.f32 $0.0e+00;
	v8 =	vimm.f32 $0.0e+00;
	v9 =	vimm.f32 $0.0e+00;
	[tilespmem:s23], [sflag:$0x2] =	stream.strided.gather [hbm4b:s10+s19], $0x3000, s20, s19, $0x38;
	[tilespmem:$0x6700] =	vst v63  }
.LBB2_2:
0x2a: {  	_ =	swait.ge [sflag:s24], $0x200  }
0x2b: {  	[sflag:s24] =	ssyncset.done $0x0  }
0x2c: {  	[sflag:s24] =	ssyncadd.s32 $0xFFFFFE00  }
0x2d: {  	_ =	swait.ge [sflag:s24], $0x3000  }
0x2e: {  	s5 =	simm.s32 $0x0;
	s30 =	simm.s32 $0x280;
	[sflag:s24] =	ssyncset.done $0x0  }
0x2f: {  	s0 =	sand.u32 $0x70, s5;
	s3 =	sand.u32 $0xC00, s5;
	[sflag:s24] =	ssyncadd.s32 $0xFFFFD000  }
0x30: {  	s0 =	sor.u32 s0, s3;
	v1 =	vld [tilespmem:s30+$0x0]  }
0x31: {  	v6 =	vld [tilespmem:s0+$0x2880]  }
0x32: {  	v4 =	vld [tilespmem:s0+$0x2900]  }
0x33: {  	v0 =	vld [tilespmem:s0+$0x2980]  }
0x34: {  	v13 =	vld [tilespmem:s0+$0x2680]  }
0x35: {  	v12 =	vld [tilespmem:s0+$0x2700]  }
0x36: {  	v3 =	vld [tilespmem:s0+$0x2780]  }
0x37: {  	v2 =	vld [tilespmem:s0+$0x2800]  }
0x38: {  	v24 =	vld [tilespmem:s0+$0x1880]  }
0x39: {  	v20 =	vld [tilespmem:s0+$0x1900]  }
0x3a: {  	v11 =	vld [tilespmem:s0+$0x1980]  }
0x3b: {  	v10 =	vld [tilespmem:s0+$0x1A00]  }
0x3c: {  	v26 =	vld [tilespmem:s0+$0x1680]  }
0x3d: {  	v23 =	vld [tilespmem:s0+$0x1700]  }
0x3e: {  	v15 =	vld [tilespmem:s0+$0x1780]  }
0x3f: {  	v14 =	vld [tilespmem:s0+$0x1800]  }
0x40: {  	v27 =	vld [tilespmem:s0+$0x880]  }
0x41: {  	s21 =	sor.u32 s5, s5;
	v25 =	vld [tilespmem:s0+$0x900]  }
0x42: {  	s3 =	sor.u32 $0x380, s21;
	v19 =	vld [tilespmem:s0+$0x980];
	v1 =	vmul.u32 $0x18, v1  }
0x43: {  	v18 =	vld [tilespmem:s3+$0x680]  }
0x44: {  	v21 =	vld [tilespmem:s0+$0x680];
	v32 =	vadd.s32 $0x14, v1  }
0x45: {  	v30 =	vld [tilespmem:s0+$0x700];
	v34 =	vadd.s32 $0x15, v1  }
0x46: {  	v28 =	vld [tilespmem:s0+$0x780];
	v22 =	vadd.s32 $0x10, v1  }
0x47: {  	v29 =	vld [tilespmem:s0+$0x800];
	v33 =	vadd.s32 $0x11, v1  }
0x48: {  	v17 =	vadd.s32 $0xC, v1;
	v31 =	vld.idx.msk [tilespmem:v1+s4+$0x0], $0xffff  }
0x49: {  	s31 =	simm.s32 $0x10;
	v16 =	vadd.s32 $0xD, v1;
	v32 =	vld.idx.msk [tilespmem:v32+s4+$0x0], $0xffff  }
.LBB2_3:
0x4a: {  	p0 =	sne.s32 s31, $0x1F0;
	v35 =	vadd.s32 $0x8, v1;
	v34 =	vld.idx.msk [tilespmem:v34+s4+$0x0], $0xffff  }
0x4b: {  	v36 =	vadd.s32 $0x9, v1;
	v22 =	vld.idx.msk [tilespmem:v22+s4+$0x0], $0xffff  }
0x4c: {  	v37 =	vor.u32 $0x4, v1;
	v33 =	vld.idx.msk [tilespmem:v33+s4+$0x0], $0xffff  }
0x4d: {  	v38 =	vor.u32 $0x5, v1;
	v17 =	vld.idx.msk [tilespmem:v17+s4+$0x0], $0xffff  }
0x4e: {  	v39 =	vor.u32 $0x1, v1;
	v16 =	vld.idx.msk [tilespmem:v16+s4+$0x0], $0xffff  }
0x4f: {  	v40 =	vor.u32 $0x2, v1;
	v35 =	vld.idx.msk [tilespmem:v35+s4+$0x0], $0xffff  }
0x50: {  	v41 =	vor.u32 $0x3, v1;
	v36 =	vld.idx.msk [tilespmem:v36+s4+$0x0], $0xffff  }
0x51: {  	v42 =	vor.u32 $0x6, v1;
	v37 =	vld.idx.msk [tilespmem:v37+s4+$0x0], $0xffff  }
0x52: {  	v43 =	vor.u32 $0x7, v1;
	v38 =	vld.idx.msk [tilespmem:v38+s4+$0x0], $0xffff  }
0x53: {  	v44 =	vadd.s32 $0xA, v1;
	v39 =	vld.idx.msk [tilespmem:v39+s4+$0x0], $0xffff  }
0x54: {  	v45 =	vadd.s32 $0xB, v1;
	v40 =	vld.idx.msk [tilespmem:v40+s4+$0x0], $0xffff  }
0x55: {  	v21 =	vmul.f32 v21, v31;
	v32 =	vmul.f32 v6, v32;
	v31 =	vld.idx.msk [tilespmem:v41+s4+$0x0], $0xffff;
	v41 =	vadd.s32 $0xE, v1  }
0x56: {  	v13 =	vmul.f32 v13, v22;
	v22 =	vmul.f32 v4, v34;
	v6 =	vld.idx.msk [tilespmem:v42+s4+$0x0], $0xffff;
	v42 =	vadd.s32 $0xF, v1  }
0x57: {  	v12 =	vmul.f32 v12, v33;
	v17 =	vmul.f32 v24, v17;
	v24 =	vadd.s32 $0x12, v1;
	v4 =	vld.idx.msk [tilespmem:v43+s4+$0x0], $0xffff  }
0x58: {  	v16 =	vmul.f32 v20, v16;
	v20 =	vadd.s32 $0x13, v1;
	v26 =	vmul.f32 v26, v35;
	v33 =	vld.idx.msk [tilespmem:v44+s4+$0x0], $0xffff  }
0x59: {  	v35 =	vadd.s32 $0x16, v1;
	v23 =	vmul.f32 v23, v36;
	v27 =	vmul.f32 v27, v37;
	v34 =	vld.idx.msk [tilespmem:v45+s4+$0x0], $0xffff  }
0x5a: {  	v1 =	vadd.s32 $0x17, v1;
	v25 =	vmul.f32 v25, v38;
	v30 =	vmul.f32 v30, v39;
	v36 =	vld.idx.msk [tilespmem:v41+s4+$0x0], $0xffff  }
0x5b: {  	v28 =	vmul.f32 v28, v40;
	v29 =	vmul.f32 v29, v31;
	v31 =	vld.idx.msk [tilespmem:v42+s4+$0x0], $0xffff  }
0x5c: {  	v9 =	vadd.f32 v21, v9;
	v8 =	vadd.f32 v30, v8;
	v6 =	vmul.f32 v19, v6;
	v19 =	vld.idx.msk [tilespmem:v24+s4+$0x0], $0xffff  }
0x5d: {  	v7 =	vadd.f32 v28, v7;
	v5 =	vadd.f32 v29, v5;
	v4 =	vmul.f32 v18, v4;
	v18 =	vld.idx.msk [tilespmem:v20+s4+$0x0], $0xffff  }
0x5e: {  	v9 =	vadd.f32 v27, v9;
	v8 =	vadd.f32 v25, v8;
	v15 =	vmul.f32 v15, v33;
	v20 =	vld.idx.msk [tilespmem:v35+s4+$0x0], $0xffff  }
0x5f: {  	s5 =	sadd.s32 $0x80, s5;
	v6 =	vadd.f32 v6, v7;
	v4 =	vadd.f32 v4, v5;
	v5 =	vmul.f32 v14, v34;
	v1 =	vld.idx.msk [tilespmem:v1+s4+$0x0], $0xffff  }
0x60: {  	s3 =	sand.u32 $0x70, s31;
	s30 =	sadd.s32 $0x10, s30;
	s18 =	sand.u32 $0xC00, s5;
	v7 =	vadd.f32 v26, v9;
	v8 =	vadd.f32 v23, v8;
	v9 =	vmul.f32 v11, v36;
	v11 =	vld [tilespmem:s0+$0x2A00]  }
0x61: {  	v14 =	vadd.f32 v15, v6;
	s0 =	sor.u32 s3, s18;
	v5 =	vadd.f32 v5, v4;
	v10 =	vmul.f32 v10, v31;
	v21 =	vld [tilespmem:s30+$0x0]  }
0x62: {  	v7 =	vadd.f32 v17, v7;
	v8 =	vadd.f32 v16, v8;
	v3 =	vmul.f32 v3, v19;
	v6 =	vld [tilespmem:s0+$0x2880]  }
0x63: {  	v9 =	vadd.f32 v9, v14;
	v5 =	vadd.f32 v10, v5;
	v2 =	vmul.f32 v2, v18;
	v4 =	vld [tilespmem:s0+$0x2900]  }
0x64: {  	v7 =	vadd.f32 v13, v7;
	v8 =	vadd.f32 v12, v8;
	v10 =	vmul.f32 v0, v20;
	v0 =	vld [tilespmem:s0+$0x2980]  }
0x65: {  	v14 =	vadd.f32 v3, v9;
	v2 =	vadd.f32 v2, v5;
	v13 =	vld [tilespmem:s0+$0x2680];
	v1 =	vmul.f32 v11, v1  }
0x66: {  	v9 =	vadd.f32 v32, v7;
	v8 =	vadd.f32 v22, v8;
	v12 =	vld [tilespmem:s0+$0x2700]  }
0x67: {  	v7 =	vadd.f32 v10, v14;
	v3 =	vld [tilespmem:s0+$0x2780];
	v5 =	vadd.f32 v1, v2  }
0x68: {  	v2 =	vld [tilespmem:s0+$0x2800]  }
0x69: {  	v24 =	vld [tilespmem:s0+$0x1880]  }
0x6a: {  	v20 =	vld [tilespmem:s0+$0x1900]  }
0x6b: {  	v11 =	vld [tilespmem:s0+$0x1980]  }
0x6c: {  	v10 =	vld [tilespmem:s0+$0x1A00]  }
0x6d: {  	v26 =	vld [tilespmem:s0+$0x1680]  }
0x6e: {  	v23 =	vld [tilespmem:s0+$0x1700]  }
0x6f: {  	v15 =	vld [tilespmem:s0+$0x1780]  }
0x70: {  	v14 =	vld [tilespmem:s0+$0x1800]  }
0x71: {  	v27 =	vld [tilespmem:s0+$0x880]  }
0x72: {  	s3 =	sor.u32 s5, s31;
	v25 =	vld [tilespmem:s0+$0x900]  }
0x73: {  	s3 =	sor.u32 $0x380, s3;
	v1 =	vmul.u32 $0x18, v21;
	v19 =	vld [tilespmem:s0+$0x980]  }
0x74: {  	v18 =	vld [tilespmem:s3+$0x680]  }
0x75: {  	v32 =	vadd.s32 $0x14, v1;
	v21 =	vld [tilespmem:s0+$0x680]  }
.Ltmp2:
0x76: {  	v34 =	vadd.s32 $0x15, v1;
	v30 =	vld [tilespmem:s0+$0x700];
	(pc) =	sbr.rel @p0 .LBB2_3-.Ltmp2, $4  }
0x77: {  	v22 =	vadd.s32 $0x10, v1;
	v28 =	vld [tilespmem:s0+$0x780]  }
0x78: {  	v33 =	vadd.s32 $0x11, v1;
	v29 =	vld [tilespmem:s0+$0x800]  }
0x79: {  	v17 =	vadd.s32 $0xC, v1;
	v31 =	vld.idx.msk [tilespmem:v1+s4+$0x0], $0xffff  }
0x7a: {  	s31 =	sadd.s32 $0x10, s31;
	v16 =	vadd.s32 $0xD, v1;
	v32 =	vld.idx.msk [tilespmem:v32+s4+$0x0], $0xffff  }
0x7b: {  	_ =	sdelay $0x3  }
0x7c: {  	v34 =	vld.idx.msk [tilespmem:v34+s4+$0x0], $0xffff  }
0x7d: {  	v35 =	vadd.s32 $0x8, v1;
	v37 =	vld.idx.msk [tilespmem:v22+s4+$0x0], $0xffff  }
0x7e: {  	v36 =	vadd.s32 $0x9, v1;
	v33 =	vld.idx.msk [tilespmem:v33+s4+$0x0], $0xffff  }
0x7f: {  	v22 =	vor.u32 $0x4, v1;
	v39 =	vld.idx.msk [tilespmem:v17+s4+$0x0], $0xffff  }
0x80: {  	v38 =	vor.u32 $0x5, v1;
	v40 =	vld.idx.msk [tilespmem:v16+s4+$0x0], $0xffff  }
0x81: {  	v17 =	vor.u32 $0x1, v1;
	v55 =	vld [tilespmem:s0+$0x2A00]  }
0x82: {  	v16 =	vor.u32 $0x2, v1;
	v35 =	vld.idx.msk [tilespmem:v35+s4+$0x0], $0xffff  }
0x83: {  	v41 =	vor.u32 $0x3, v1;
	v36 =	vld.idx.msk [tilespmem:v36+s4+$0x0], $0xffff  }
0x84: {  	v43 =	vor.u32 $0x7, v1;
	v42 =	vld.idx.msk [tilespmem:v22+s4+$0x0], $0xffff  }
0x85: {  	v22 =	vor.u32 $0x6, v1;
	v38 =	vld.idx.msk [tilespmem:v38+s4+$0x0], $0xffff  }
0x86: {  	v44 =	vld.idx.msk [tilespmem:v17+s4+$0x0], $0xffff;
	v17 =	vadd.s32 $0xA, v1  }
0x87: {  	v45 =	vld.idx.msk [tilespmem:v16+s4+$0x0], $0xffff;
	v16 =	vadd.s32 $0xB, v1  }
0x88: {  	v46 =	vadd.s32 $0xE, v1;
	v41 =	vld.idx.msk [tilespmem:v41+s4+$0x0], $0xffff  }
0x89: {  	v48 =	vadd.s32 $0x12, v1;
	v43 =	vld.idx.msk [tilespmem:v43+s4+$0x0], $0xffff  }
0x8a: {  	s30 =	sshll.u32 s29, $0x1;
	p0 =	seq.s32 s29, $0x31;
	v47 =	vld.idx.msk [tilespmem:v22+s4+$0x0], $0xffff;
	v22 =	vadd.s32 $0xF, v1  }
0x8b: {  	s3 =	sadd.s32 @!p0 s30, s11;
	v49 =	vld.idx.msk [tilespmem:v17+s4+$0x0], $0xffff;
	v17 =	vadd.s32 $0x13, v1  }
0x8c: {  	s5 =	sshll.u32 @!p0 s3, $0x7;
	s18 =	sshll.u32 @!p0 s3, $0xE;
	v50 =	vld.idx.msk [tilespmem:v16+s4+$0x0], $0xffff;
	v16 =	vadd.s32 $0x16, v1  }
0x8d: {  	s5 =	sand.u32 @!p0 $0x300, s5;
	s18 =	sand.u32 @!p0 $0x7E0000, s18;
	v46 =	vld.idx.msk [tilespmem:v46+s4+$0x0], $0xffff;
	v1 =	vadd.s32 $0x17, v1  }
0x8e: {  	s5 =	sor.u32 @!p0 s18, s5;
	v48 =	vld.idx.msk [tilespmem:v48+s4+$0x0], $0xffff  }
0x8f: {  	s5 =	sor.u32 @!p0 s6, s5;
	v51 =	vld.idx.msk [tilespmem:v22+s4+$0x0], $0xffff  }
0x90: {  	s0 =	simm.s32 @!p0 $0x400;
	s31 =	simm.s32 @!p0 $0x280;
	s5 =	sshrl.u32 @!p0 s5, $0x3;
	v52 =	vld.idx.msk [tilespmem:v17+s4+$0x0], $0xffff  }
0x91: {  	s3 =	smul.u32 @!p0 $0x60000, s3;
	s18 =	simm.s32 @!p0 $0x80;
	s5 =	sadd.s32 @!p0 s2, s5;
	v53 =	vld.idx.msk [tilespmem:v16+s4+$0x0], $0xffff  }
0x92: {  	v54 =	vld.idx.msk [tilespmem:v1+s4+$0x0], $0xffff;
	[tilespmem:s31], [sflag:$0x1] =	stream.strided.gather @!p0 [hbm4b:s5+s18], $0x200, s0, s18, $0x38  }
0x93: {  	s0 =	sor.u32 @!p0 s6, s3  }
0x94: {  	s3 =	simm.s32 @!p0 $0x1000;
	s0 =	sshrl.u32 @!p0 s0, $0x3  }
0x95: {  	s5 =	simm.s32 @!p0 $0x20000;
	s18 =	simm.s32 @!p0 $0x680;
	s0 =	sadd.s32 @!p0 s1, s0  }
0x96: {  	[tilespmem:s18], [sflag:$0x1] =	stream.strided.gather @!p0 [hbm4b:s0+s3], $0x3000, s5, s3, $0x38;
	[tilespmem:$0x6700] =	vst v63  }
0x97: {  	_ =	swait.ge [sflag:s25], $0x200  }
0x98: {  	[sflag:s25] =	ssyncset.done $0x0  }
0x99: {  	[sflag:s25] =	ssyncadd.s32 $0xFFFFFE00  }
0x9a: {  	_ =	swait.ge [sflag:s25], $0x3000  }
0x9b: {  	s0 =	simm.s32 $0x0;
	s5 =	simm.s32 $0x480;
	[sflag:s25] =	ssyncset.done $0x0  }
0x9c: {  	s18 =	sand.u32 $0x70, s0;
	s21 =	sand.u32 $0xC00, s0;
	[sflag:s25] =	ssyncadd.s32 $0xFFFFD000  }
0x9d: {  	s31 =	sor.u32 s18, s21;
	v56 =	vld [tilespmem:s5+$0x0]  }
0x9e: {  	v17 =	vld [tilespmem:s31+$0x5880]  }
0x9f: {  	v16 =	vld [tilespmem:s31+$0x5900]  }
0xa0: {  	v1 =	vld [tilespmem:s31+$0x5980]  }
0xa1: {  	v22 =	vld [tilespmem:s31+$0x5680]  }
0xa2: {  	v31 =	vmul.f32 v21, v31;
	v32 =	vmul.f32 v6, v32;
	v21 =	vld [tilespmem:s31+$0x5700]  }
0xa3: {  	v37 =	vmul.f32 v13, v37;
	v34 =	vmul.f32 v4, v34;
	v6 =	vld [tilespmem:s31+$0x5780]  }
0xa4: {  	v39 =	vmul.f32 v24, v39;
	v33 =	vmul.f32 v12, v33;
	v4 =	vld [tilespmem:s31+$0x5800]  }
0xa5: {  	v63 =	vmul.f32 v20, v40;
	v30 =	vmul.f32 v30, v44;
	v24 =	vld [tilespmem:s31+$0x4880]  }
0xa6: {  	v31 =	vadd.f32 v31, v9;
	v26 =	vmul.f32 v26, v35;
	v27 =	vmul.f32 v27, v42;
	v20 =	vld [tilespmem:s31+$0x4900]  }
0xa7: {  	v23 =	vmul.f32 v23, v36;
	v25 =	vmul.f32 v25, v38;
	v8 =	vadd.f32 v30, v8;
	v13 =	vld [tilespmem:s31+$0x4980]  }
0xa8: {  	v28 =	vmul.f32 v28, v45;
	v29 =	vmul.f32 v29, v41;
	v12 =	vld [tilespmem:s31+$0x4A00]  }
0xa9: {  	v27 =	vadd.f32 v27, v31;
	v8 =	vadd.f32 v25, v8;
	v30 =	vmul.f32 v19, v47;
	v19 =	vld [tilespmem:s31+$0x4680]  }
0xaa: {  	v18 =	vmul.f32 v18, v43;
	v28 =	vadd.f32 v28, v7;
	v5 =	vadd.f32 v29, v5;
	v9 =	vld [tilespmem:s31+$0x4700]  }
0xab: {  	v26 =	vadd.f32 v26, v27;
	v15 =	vmul.f32 v15, v49;
	v8 =	vadd.f32 v23, v8;
	v7 =	vld [tilespmem:s31+$0x4780]  }
0xac: {  	v14 =	vmul.f32 v14, v50;
	v25 =	vadd.f32 v30, v28;
	v28 =	vadd.f32 v18, v5;
	v5 =	vld [tilespmem:s31+$0x4800]  }
0xad: {  	v23 =	vmul.f32 v11, v46;
	v26 =	vadd.f32 v39, v26;
	v8 =	vadd.f32 v63, v8;
	v18 =	vld [tilespmem:s31+$0x3880]  }
0xae: {  	v25 =	vadd.f32 v15, v25;
	v27 =	vadd.f32 v14, v28;
	v10 =	vmul.f32 v10, v51;
	s21 =	sor.u32 s0, s0;
	v14 =	vld [tilespmem:s31+$0x3900]  }
0xaf: {  	v26 =	vadd.f32 v37, v26;
	v8 =	vadd.f32 v33, v8;
	s3 =	sor.u32 $0x380, s21;
	v11 =	vld [tilespmem:s31+$0x3980];
	v15 =	vmul.u32 $0x18, v56  }
0xb0: {  	v3 =	vmul.f32 v3, v48;
	v23 =	vadd.f32 v23, v25;
	v28 =	vadd.f32 v10, v27;
	v10 =	vld [tilespmem:s3+$0x3680]  }
0xb1: {  	v2 =	vmul.f32 v2, v52;
	v8 =	vadd.f32 v34, v8;
	v27 =	vld [tilespmem:s31+$0x3680];
	v29 =	vadd.s32 $0x14, v15  }
0xb2: {  	v30 =	vadd.f32 v3, v23;
	v3 =	vadd.f32 v32, v26;
	v25 =	vld [tilespmem:s31+$0x3700];
	v34 =	vadd.s32 $0x15, v15  }
0xb3: {  	v2 =	vadd.f32 v2, v28;
	v28 =	vmul.f32 v55, v54;
	v23 =	vld [tilespmem:s31+$0x3780];
	v32 =	vadd.s32 $0x10, v15  }
0xb4: {  	v0 =	vmul.f32 v0, v53;
	v26 =	vld [tilespmem:s31+$0x3800];
	v33 =	vadd.s32 $0x11, v15  }
0xb5: {  	v2 =	vadd.f32 v28, v2;
	v31 =	vadd.s32 $0xC, v15;
	v28 =	vld.idx.msk [tilespmem:v15+s4+$0x0], $0xffff  }
0xb6: {  	v0 =	vadd.f32 v0, v30;
	s3 =	simm.s32 $0x10;
	v30 =	vadd.s32 $0xD, v15;
	v29 =	vld.idx.msk [tilespmem:v29+s4+$0x0], $0xffff  }
.LBB2_5:
0xb7: {  	p1 =	sne.s32 s3, $0x1F0;
	v35 =	vadd.s32 $0x8, v15;
	v34 =	vld.idx.msk [tilespmem:v34+s4+$0x0], $0xffff  }
0xb8: {  	v36 =	vadd.s32 $0x9, v15;
	v32 =	vld.idx.msk [tilespmem:v32+s4+$0x0], $0xffff  }
0xb9: {  	v37 =	vor.u32 $0x4, v15;
	v33 =	vld.idx.msk [tilespmem:v33+s4+$0x0], $0xffff  }
0xba: {  	v38 =	vor.u32 $0x5, v15;
	v31 =	vld.idx.msk [tilespmem:v31+s4+$0x0], $0xffff  }
0xbb: {  	v39 =	vor.u32 $0x1, v15;
	v30 =	vld.idx.msk [tilespmem:v30+s4+$0x0], $0xffff  }
0xbc: {  	v40 =	vor.u32 $0x2, v15;
	v35 =	vld.idx.msk [tilespmem:v35+s4+$0x0], $0xffff  }
0xbd: {  	v41 =	vor.u32 $0x3, v15;
	v36 =	vld.idx.msk [tilespmem:v36+s4+$0x0], $0xffff  }
0xbe: {  	v42 =	vor.u32 $0x6, v15;
	v37 =	vld.idx.msk [tilespmem:v37+s4+$0x0], $0xffff  }
0xbf: {  	v43 =	vor.u32 $0x7, v15;
	v38 =	vld.idx.msk [tilespmem:v38+s4+$0x0], $0xffff  }
0xc0: {  	v44 =	vadd.s32 $0xA, v15;
	v39 =	vld.idx.msk [tilespmem:v39+s4+$0x0], $0xffff  }
0xc1: {  	v45 =	vadd.s32 $0xB, v15;
	v40 =	vld.idx.msk [tilespmem:v40+s4+$0x0], $0xffff  }
0xc2: {  	v27 =	vmul.f32 v27, v28;
	v29 =	vmul.f32 v17, v29;
	v28 =	vld.idx.msk [tilespmem:v41+s4+$0x0], $0xffff;
	v41 =	vadd.s32 $0xE, v15  }
0xc3: {  	v22 =	vmul.f32 v22, v32;
	v32 =	vmul.f32 v16, v34;
	v17 =	vld.idx.msk [tilespmem:v42+s4+$0x0], $0xffff;
	v42 =	vadd.s32 $0xF, v15  }
0xc4: {  	v21 =	vmul.f32 v21, v33;
	v24 =	vmul.f32 v24, v31;
	v31 =	vadd.s32 $0x12, v15;
	v16 =	vld.idx.msk [tilespmem:v43+s4+$0x0], $0xffff  }
0xc5: {  	v20 =	vmul.f32 v20, v30;
	v30 =	vadd.s32 $0x13, v15;
	v19 =	vmul.f32 v19, v35;
	v33 =	vld.idx.msk [tilespmem:v44+s4+$0x0], $0xffff  }
0xc6: {  	v35 =	vadd.s32 $0x16, v15;
	v9 =	vmul.f32 v9, v36;
	v18 =	vmul.f32 v18, v37;
	v34 =	vld.idx.msk [tilespmem:v45+s4+$0x0], $0xffff  }
0xc7: {  	v15 =	vadd.s32 $0x17, v15;
	v14 =	vmul.f32 v14, v38;
	v25 =	vmul.f32 v25, v39;
	v36 =	vld.idx.msk [tilespmem:v41+s4+$0x0], $0xffff  }
0xc8: {  	v23 =	vmul.f32 v23, v40;
	v26 =	vmul.f32 v26, v28;
	v28 =	vld.idx.msk [tilespmem:v42+s4+$0x0], $0xffff  }
0xc9: {  	v3 =	vadd.f32 v27, v3;
	v8 =	vadd.f32 v25, v8;
	v11 =	vmul.f32 v11, v17;
	v25 =	vld.idx.msk [tilespmem:v31+s4+$0x0], $0xffff  }
0xca: {  	v0 =	vadd.f32 v23, v0;
	v2 =	vadd.f32 v26, v2;
	v10 =	vmul.f32 v10, v16;
	v23 =	vld.idx.msk [tilespmem:v30+s4+$0x0], $0xffff  }
0xcb: {  	v3 =	vadd.f32 v18, v3;
	v8 =	vadd.f32 v14, v8;
	v7 =	vmul.f32 v7, v33;
	v14 =	vld.idx.msk [tilespmem:v35+s4+$0x0], $0xffff  }
0xcc: {  	s0 =	sadd.s32 $0x80, s0;
	v0 =	vadd.f32 v11, v0;
	v2 =	vadd.f32 v10, v2;
	v5 =	vmul.f32 v5, v34;
	v10 =	vld.idx.msk [tilespmem:v15+s4+$0x0], $0xffff  }
0xcd: {  	s18 =	sand.u32 $0x70, s3;
	s5 =	sadd.s32 $0x10, s5;
	s21 =	sand.u32 $0xC00, s0;
	v3 =	vadd.f32 v19, v3;
	v8 =	vadd.f32 v9, v8;
	v9 =	vmul.f32 v13, v36;
	v11 =	vld [tilespmem:s31+$0x5A00]  }
0xce: {  	v0 =	vadd.f32 v7, v0;
	s31 =	sor.u32 s18, s21;
	v2 =	vadd.f32 v5, v2;
	v5 =	vmul.f32 v12, v28;
	v15 =	vld [tilespmem:s5+$0x0]  }
0xcf: {  	v3 =	vadd.f32 v24, v3;
	v7 =	vadd.f32 v20, v8;
	v6 =	vmul.f32 v6, v25;
	v17 =	vld [tilespmem:s31+$0x5880]  }
0xd0: {  	v0 =	vadd.f32 v9, v0;
	v2 =	vadd.f32 v5, v2;
	v4 =	vmul.f32 v4, v23;
	v16 =	vld [tilespmem:s31+$0x5900]  }
0xd1: {  	v3 =	vadd.f32 v22, v3;
	v5 =	vadd.f32 v21, v7;
	v7 =	vmul.f32 v1, v14;
	v1 =	vld [tilespmem:s31+$0x5980]  }
0xd2: {  	v0 =	vadd.f32 v6, v0;
	v2 =	vadd.f32 v4, v2;
	v22 =	vld [tilespmem:s31+$0x5680];
	v4 =	vmul.f32 v11, v10  }
0xd3: {  	v3 =	vadd.f32 v29, v3;
	v8 =	vadd.f32 v32, v5;
	v21 =	vld [tilespmem:s31+$0x5700]  }
0xd4: {  	v0 =	vadd.f32 v7, v0;
	v6 =	vld [tilespmem:s31+$0x5780];
	v2 =	vadd.f32 v4, v2  }
0xd5: {  	v4 =	vld [tilespmem:s31+$0x5800]  }
0xd6: {  	v24 =	vld [tilespmem:s31+$0x4880]  }
0xd7: {  	v20 =	vld [tilespmem:s31+$0x4900]  }
0xd8: {  	v13 =	vld [tilespmem:s31+$0x4980]  }
0xd9: {  	v12 =	vld [tilespmem:s31+$0x4A00]  }
0xda: {  	v19 =	vld [tilespmem:s31+$0x4680]  }
0xdb: {  	v9 =	vld [tilespmem:s31+$0x4700]  }
0xdc: {  	v7 =	vld [tilespmem:s31+$0x4780]  }
0xdd: {  	v5 =	vld [tilespmem:s31+$0x4800]  }
0xde: {  	v18 =	vld [tilespmem:s31+$0x3880]  }
0xdf: {  	s18 =	sor.u32 s0, s3;
	v14 =	vld [tilespmem:s31+$0x3900]  }
0xe0: {  	s18 =	sor.u32 $0x380, s18;
	v15 =	vmul.u32 $0x18, v15;
	v11 =	vld [tilespmem:s31+$0x3980]  }
0xe1: {  	v10 =	vld [tilespmem:s18+$0x3680]  }
0xe2: {  	v29 =	vadd.s32 $0x14, v15;
	v27 =	vld [tilespmem:s31+$0x3680]  }
.Ltmp3:
0xe3: {  	v34 =	vadd.s32 $0x15, v15;
	v25 =	vld [tilespmem:s31+$0x3700];
	(pc) =	sbr.rel @p1 .LBB2_5-.Ltmp3, $4  }
0xe4: {  	v32 =	vadd.s32 $0x10, v15;
	v23 =	vld [tilespmem:s31+$0x3780]  }
0xe5: {  	v33 =	vadd.s32 $0x11, v15;
	v26 =	vld [tilespmem:s31+$0x3800]  }
0xe6: {  	v31 =	vadd.s32 $0xC, v15;
	v28 =	vld.idx.msk [tilespmem:v15+s4+$0x0], $0xffff  }
0xe7: {  	s3 =	sadd.s32 $0x10, s3;
	v30 =	vadd.s32 $0xD, v15;
	v29 =	vld.idx.msk [tilespmem:v29+s4+$0x0], $0xffff  }
0xe8: {  	_ =	sdelay $0x3  }
0xe9: {  	v35 =	vadd.s32 $0x8, v15;
	v34 =	vld.idx.msk [tilespmem:v34+s4+$0x0], $0xffff  }
0xea: {  	v36 =	vadd.s32 $0x9, v15;
	v32 =	vld.idx.msk [tilespmem:v32+s4+$0x0], $0xffff  }
0xeb: {  	v37 =	vor.u32 $0x4, v15;
	v33 =	vld.idx.msk [tilespmem:v33+s4+$0x0], $0xffff  }
0xec: {  	v38 =	vor.u32 $0x5, v15;
	v31 =	vld.idx.msk [tilespmem:v31+s4+$0x0], $0xffff  }
0xed: {  	v39 =	vor.u32 $0x1, v15;
	v30 =	vld.idx.msk [tilespmem:v30+s4+$0x0], $0xffff  }
0xee: {  	v40 =	vor.u32 $0x2, v15;
	v35 =	vld.idx.msk [tilespmem:v35+s4+$0x0], $0xffff  }
0xef: {  	v41 =	vor.u32 $0x3, v15;
	v36 =	vld.idx.msk [tilespmem:v36+s4+$0x0], $0xffff  }
0xf0: {  	v42 =	vor.u32 $0x6, v15;
	v37 =	vld.idx.msk [tilespmem:v37+s4+$0x0], $0xffff  }
0xf1: {  	v43 =	vor.u32 $0x7, v15;
	v38 =	vld.idx.msk [tilespmem:v38+s4+$0x0], $0xffff  }
0xf2: {  	v44 =	vadd.s32 $0xA, v15;
	v39 =	vld.idx.msk [tilespmem:v39+s4+$0x0], $0xffff  }
0xf3: {  	v45 =	vadd.s32 $0xB, v15;
	v40 =	vld.idx.msk [tilespmem:v40+s4+$0x0], $0xffff  }
0xf4: {  	v49 =	vadd.s32 $0xE, v15;
	v27 =	vmul.f32 v27, v28;
	v48 =	vld.idx.msk [tilespmem:v41+s4+$0x0], $0xffff  }
0xf5: {  	v51 =	vadd.s32 $0xF, v15;
	v17 =	vmul.f32 v17, v29;
	v50 =	vld.idx.msk [tilespmem:v42+s4+$0x0], $0xffff;
	v22 =	vmul.f32 v22, v32  }
0xf6: {  	v53 =	vadd.s32 $0x12, v15;
	v16 =	vmul.f32 v16, v34;
	v52 =	vld.idx.msk [tilespmem:v43+s4+$0x0], $0xffff;
	v24 =	vmul.f32 v24, v31  }
0xf7: {  	v55 =	vadd.s32 $0x13, v15;
	v21 =	vmul.f32 v21, v33;
	v54 =	vld.idx.msk [tilespmem:v44+s4+$0x0], $0xffff;
	v20 =	vmul.f32 v20, v30  }
0xf8: {  	v57 =	vadd.s32 $0x16, v15;
	v56 =	vld.idx.msk [tilespmem:v45+s4+$0x0], $0xffff;
	v19 =	vmul.f32 v19, v35;
	v18 =	vmul.f32 v18, v37  }
0xf9: {  	v59 =	vadd.s32 $0x17, v15;
	v58 =	vld.idx.msk [tilespmem:v49+s4+$0x0], $0xffff;
	v9 =	vmul.f32 v9, v36;
	v25 =	vmul.f32 v25, v39  }
0xfa: {  	v60 =	vld.idx.msk [tilespmem:v51+s4+$0x0], $0xffff;
	v3 =	vadd.f32 v27, v3;
	v23 =	vmul.f32 v23, v40;
	v26 =	vmul.f32 v26, v48  }
0xfb: {  	v61 =	vld.idx.msk [tilespmem:v53+s4+$0x0], $0xffff;
	v14 =	vmul.f32 v14, v38;
	v11 =	vmul.f32 v11, v50;
	v8 =	vadd.f32 v25, v8  }
0xfc: {  	v62 =	vld.idx.msk [tilespmem:v55+s4+$0x0], $0xffff;
	v10 =	vmul.f32 v10, v52;
	v0 =	vadd.f32 v23, v0;
	v2 =	vadd.f32 v26, v2  }
0xfd: {  	v63 =	vld.idx.msk [tilespmem:v57+s4+$0x0], $0xffff;
	v7 =	vmul.f32 v7, v54;
	v3 =	vadd.f32 v18, v3;
	v8 =	vadd.f32 v14, v8  }
0xfe: {  	v5 =	vmul.f32 v5, v56;
	v0 =	vadd.f32 v11, v0;
	v2 =	vadd.f32 v10, v2;
	v10 =	vld.idx.msk [tilespmem:v59+s4+$0x0], $0xffff  }
0xff: {  	v3 =	vadd.f32 v19, v3;
	v11 =	vld [tilespmem:s31+$0x5A00];
	v8 =	vadd.f32 v9, v8;
	v9 =	vmul.f32 v13, v58  }
0x100: {  	v0 =	vadd.f32 v7, v0;
	v2 =	vadd.f32 v5, v2;
	v5 =	vmul.f32 v12, v60  }
0x101: {  	v6 =	vmul.f32 v6, v61;
	v3 =	vadd.f32 v24, v3;
	v7 =	vadd.f32 v20, v8  }
.Ltmp4:
0x102: {  	v4 =	vmul.f32 v4, v62;
	v0 =	vadd.f32 v9, v0;
	v2 =	vadd.f32 v5, v2;
	(pc) =	sbr.rel @p0 .LBB2_8-.Ltmp4, $4  }
0x103: {  	v1 =	vmul.f32 v1, v63;
	v3 =	vadd.f32 v22, v3;
	v5 =	vadd.f32 v21, v7  }
0x104: {  	v0 =	vadd.f32 v6, v0;
	v2 =	vadd.f32 v4, v2;
	v4 =	vmul.f32 v11, v10  }
0x105: {  	v9 =	vadd.f32 v17, v3;
	v8 =	vadd.f32 v16, v5  }
0x106: {  	v7 =	vadd.f32 v1, v0;
	v5 =	vadd.f32 v4, v2  }
0x107: {  	s0 =	sadd.s32 s30, s12  }
0x108: {  	s3 =	sshll.u32 s0, $0x7;
	s5 =	sshll.u32 s0, $0xE  }
0x109: {  	s3 =	sand.u32 $0x380, s3;
	s5 =	sand.u32 $0x7E0000, s5  }
0x10a: {  	s0 =	smul.u32 $0x60000, s0;
	s3 =	sor.u32 s5, s3  }
0x10b: {  	s3 =	sor.u32 s6, s3  }
.Ltmp5:
0x10c: {  	s0 =	sor.u32 s6, s0;
	s3 =	sshrl.u32 s3, $0x3;
	(pc) =	sbr.rel .LBB2_2-.Ltmp5, $4  }
0x10d: {  	s0 =	sshrl.u32 s0, $0x3;
	s3 =	sadd.s32 s2, s3  }
0x10e: {  	[tilespmem:s22], [sflag:$0x2] =	stream.strided.gather [hbm4b:s3+s16], $0x200, s17, s16, $0x38;
	[tilespmem:$0x6700] =	vst v63  }
0x10f: {  	s29 =	sadd.s32 $0x1, s29;
	s0 =	sadd.s32 s1, s0  }
0x110: {  	[tilespmem:s23], [sflag:$0x2] =	stream.strided.gather [hbm4b:s0+s19], $0x3000, s20, s19, $0x38;
	[tilespmem:$0x6700] =	vst v63  }
.LBB2_9:
0x111: {  	_ =	sfence.sel $0x180000  }
0x112: {  	[bflag:$0x0] =	sbarrier.arrive $0xFFFF  }
0x113: {  	_ =	strace $0x90000047  }
0x114: {  	s0 =	stileid.u32;
	[bflag:$0x2] =	sbarrier.arrive $0xFFFF  }
0x115: {  	p0 =	sne.s32 s0, $0x0;
	s0 =	rddreg [dreg:$0x3]  }
0x116: {  	s0 =	sadd.s32 @!p0 $0x100000, s0  }
0x117: {  	[sflag:s0] =	ssyncadd.tile.s32 @!p0 $0x1;
	_ =	shalt  }
.Lfunc_end2:
_tile_overlayer_lowered:
.L_overlay_start_2:
0x118: {  	(tag) =	ssettag $0x2  }
0x119: {  	s0 =	rddreg [dreg:$0x0];
	s2 =	stileid.u32  }
0x11a: {  	s1 =	rddreg [dreg:$0x1];
	p0 =	sne.s32 s2, $0x0  }
0x11b: {  	s3 =	rddreg [dreg:$0x2];
	[bflag:$0x3] =	sbarrier.arrive $0xFFFF;
	s2 =	simm.s32 @!p0 $0x1C03  }
0x11c: {  	[timem:s3], [sflag:s2] =	dma.local @!p0 [hbm:s0], s1  }
0x11d: {  	s0 =	simm.s32 @!p0 $0x3  }
0x11e: {  	_ =	swait.ge @!p0 [sflag:s0], s1  }
0x11f: {  	s1 =	ssub.s32 @!p0 $0x0, s1;
	[sflag:s0] =	ssyncset.done @!p0 $0x0  }
0x120: {  	[sflag:s0] =	ssyncadd.s32 @!p0 s1  }
0x121: {  	[bflag:$0x3] =	sbarrier.arrive $0xFFFF  }
0x122: {  	_ =	shalt  }

</sc_bundles>
